<compile_context>
chip_gen: v7x
topology: tpu7x:2x2x1
jax: 0.10.2.dev20260603
libtpu: 0.0.44.dev20260713+nightly
codegen_flags: <defaults>
</compile_context>

<pallas_src>
import functools

import jax
import jax.numpy as jnp
from jax import lax
from jax.experimental import pallas as pl
from jax.experimental.pallas import tpu as pltpu
from jax.experimental.pallas import tpu_sc as plsc

B, N, D = 8, 8192, 1024
K = N // 4
NC, NS, L = 2, 16, 16
BPC = B // NC
TPB = NS // BPC
RPT = K // TPB
GCH = 16
NBUF = 6
NV = N // L
NH = 2048
HSH = 21
MSB = -2147483648

_mesh = plsc.VectorSubcoreMesh(
    core_axis_name="c", subcore_axis_name="s", num_cores=NC, num_subcores=NS
)


def _keys16(sref, i):
    v = sref[pl.ds(i * L, L)]
    return v ^ (lax.shift_right_arithmetic(v, 31) & jnp.int32(0x7FFFFFFF))


_OUT_TYPE = (
    jax.ShapeDtypeStruct((B * K, D), jnp.float32),
    jax.ShapeDtypeStruct((B * K,), jnp.int32),
    jax.ShapeDtypeStruct((B * K,), jnp.int32),
)
_SCRATCH = [
    pltpu.VMEM((N,), jnp.int32),
    pltpu.VMEM((2 * N + 64,), jnp.int32),
    pltpu.VMEM((NH,), jnp.int32),
    pltpu.VMEM((K + L,), jnp.int32),
    pltpu.VMEM((K + L,), jnp.int32),
    pltpu.VMEM((RPT,), jnp.int32),
    pltpu.VMEM((NBUF, GCH, D), jnp.float32),
    pltpu.SemaphoreType.DMA((NBUF,)),
    pltpu.SemaphoreType.DMA((NBUF,)),
]


def _pop(mask):
    return plsc.all_reduce_population_count(mask)[0]


def _pruner_body(tok_hbm, scr_hbm, out_tok, out_idx, out_scr,
                 svmem, work, hist, oidx, oscr, idxg, rowbuf, sem_g, sem_w):
    c = lax.axis_index("c")
    s = lax.axis_index("s")

    @pl.when(s < BPC)
    def _select():
        b = c * BPC + s
        pltpu.sync_copy(scr_hbm.at[pl.ds(b * N, N)], svmem)
        lane = lax.iota(jnp.int32, L)

        zeros16 = jnp.zeros((L,), jnp.int32)
        ones16 = jnp.ones((L,), jnp.int32)

        def zb(i, _):
            hist[pl.ds(i * L, L)] = zeros16
            return 0
        lax.fori_loop(0, NH // L, zb, 0)

        def hb(i, _):
            for u in range(2):
                ub = _keys16(svmem, 2 * i + u) ^ MSB
                bkt = lax.shift_right_logical(ub, HSH)
                plsc.addupdate_scatter(hist, [bkt], ones16)
            return 0
        lax.fori_loop(0, NV // 2, hb, 0)

        def sb(j, carry):
            csum, bvec, svec = carry
            ii = NH // L - 1 - j
            v = hist[pl.ds(ii * L, L)]
            sfx = lax.rev(plsc.cumsum(lax.rev(v, (0,))), (0,)) + csum
            cond = (sfx >= K) & ((sfx - v) < K)
            bvec = jnp.where(cond, ii * L + lane, bvec)
            svec = jnp.where(cond, sfx - v, svec)
            return sfx[0], bvec, svec

        _, bvec, svec = lax.fori_loop(
            0, NH // L, sb,
            (jnp.int32(0), jnp.full((L,), -1, jnp.int32),
             jnp.full((L,), -1, jnp.int32)),
        )
        bstar = jnp.max(bvec)
        base0 = jnp.max(svec)

        def cb(i, o):
            for u in range(2):
                ub = _keys16(svmem, 2 * i + u) ^ MSB
                keep = lax.shift_right_logical(ub, HSH) == bstar
                plsc.store_compressed(work.at[pl.ds(o, L)], ub, mask=keep)
                o = o + _pop(keep)
            return o

        cntc = lax.fori_loop(0, NV // 2, cb, jnp.int32(0))
        state0 = (base0, cntc, bstar << HSH, jnp.int32(0))

        def step(j, carry):
            base, cnt, prefix, in_off = carry
            sh = 31 - j
            other = N - in_off

            def pbody(i, carry2):
                oz, oo = carry2
                for u in range(2):
                    pos = i * 2 * L + u * L
                    v = work[pl.ds(in_off + pos, L)]
                    valid = (pos + lane) < cnt
                    m1 = valid & ((lax.shift_right_logical(v, sh) & 1) == 1)
                    m0 = valid & ~m1
                    plsc.store_compressed(
                        work.at[pl.ds(in_off + oz, L)], v, mask=m0
                    )
                    oz = oz + _pop(m0)
                    plsc.store_compressed(
                        work.at[pl.ds(other + oo, L)], v, mask=m1
                    )
                    oo = oo + _pop(m1)
                return oz, oo

            nv2 = (cnt + (2 * L - 1)) // (2 * L)
            oz, oo = lax.fori_loop(0, nv2, pbody, (jnp.int32(0), jnp.int32(0)))
            want = jnp.where(base + oo >= K, 1, 0)
            base = jnp.where(want == 1, base, base + oo)
            cnt = jnp.where(want == 1, oo, oz)
            return base, cnt, prefix | (want << sh), jnp.where(want == 1, other, in_off)

        base, _, t_ub, _ = lax.fori_loop(32 - HSH, 32, step, state0)
        t_key = t_ub ^ MSB
        need_eq = K - base

        def bbody(i, carry):
            o, e = carry
            for u in range(2):
                iv = 2 * i + u
                key = _keys16(svmem, iv)
                gt = key > t_key
                eq = key == t_key
                pe = _pop(eq)

                def slow(_):
                    eqi = jnp.where(eq, 1, 0)
                    excl = plsc.cumsum(eqi) - eqi
                    return eq & (e + excl < need_eq)

                take = lax.cond(
                    (e < need_eq) & (need_eq < e + pe),
                    slow,
                    lambda _: eq & (e < need_eq),
                    0,
                )
                keep = gt | take
                plsc.store_compressed(
                    oidx.at[pl.ds(o, L)], iv * L + lane, mask=keep
                )
                plsc.store_compressed(
                    oscr.at[pl.ds(o, L)], svmem[pl.ds(iv * L, L)], mask=keep
                )
                o = o + _pop(keep)
                e = e + pe
            return o, e

        lax.fori_loop(0, NV // 2, bbody, (jnp.int32(0), jnp.int32(0)))
        pltpu.sync_copy(oidx.at[pl.ds(0, K)], out_idx.at[pl.ds(b * K, K)])
        pltpu.sync_copy(oscr.at[pl.ds(0, K)], out_scr.at[pl.ds(b * K, K)])

    plsc.subcore_barrier()

    b2 = c * BPC + s // TPB
    row0 = b2 * K + (s % TPB) * RPT
    pltpu.sync_copy(out_idx.at[pl.ds(row0, RPT)], idxg)

    def gbody(i, _):
        idxg[pl.ds(i * L, L)] = idxg[pl.ds(i * L, L)] + b2 * N
        return 0
    lax.fori_loop(0, RPT // L, gbody, 0)

    NCH = RPT // GCH
    LOOK = 3

    def _gather(g, par):
        pltpu.async_copy(
            tok_hbm.at[idxg.at[pl.ds(g * GCH, GCH)]],
            rowbuf.at[par], sem_g.at[par],
        )

    def _wait_write(par):
        pltpu.make_async_copy(
            rowbuf.at[par], out_tok.at[pl.ds(row0, GCH)], sem_w.at[par]
        ).wait()

    for p in range(LOOK):
        _gather(p, p)

    def cbody(tt, _):
        for j in range(NBUF):
            t = tt * NBUF + j

            @pl.when((t >= LOOK) & (t < NCH))
            def _reuse():
                _wait_write((j + LOOK) % NBUF)

            @pl.when(t + LOOK < NCH)
            def _ahead():
                _gather(t + LOOK, (j + LOOK) % NBUF)

            @pl.when(t < NCH)
            def _do():
                pltpu.make_async_copy(
                    tok_hbm.at[idxg.at[pl.ds(0, GCH)]],
                    rowbuf.at[j], sem_g.at[j],
                ).wait()
                pltpu.async_copy(
                    rowbuf.at[j],
                    out_tok.at[pl.ds(row0 + t * GCH, GCH)],
                    sem_w.at[j],
                )
        return 0

    lax.fori_loop(0, (NCH + NBUF - 1) // NBUF, cbody, 0)
    for g in range(NCH - LOOK, NCH):
        _wait_write(g % NBUF)


_pruner = pl.kernel(
    _pruner_body,
    out_type=_OUT_TYPE,
    mesh=_mesh,
    scratch_types=_SCRATCH,
    compiler_params=pltpu.CompilerParams(needs_layout_passes=False),
)


def kernel(visual_tokens, scores):
    tok = visual_tokens.reshape(B * N, D)
    scr = lax.bitcast_convert_type(scores.reshape(B * N), jnp.int32)
    out_tok, out_idx, out_scr = _pruner(tok, scr)
    return (
        out_tok.reshape(B, K, D),
        out_idx.reshape(B, K),
        lax.bitcast_convert_type(out_scr, jnp.float32).reshape(B, K),
    )

# --- scband reference (transcript-rebuilt; emitter-appended) ---
"""Pipeline reference for scband-token-pruner-65051574665606 (READ-ONLY COPY).

The authoritative reference and input builder live on the scoring server;
editing this copy changes nothing except your own understanding.
"""

import jax, jax.numpy as jnp
import numpy as np

KEEP_RATIO = 0.25


def setup_inputs(seed: int = 0) -> dict:
    key = jax.random.key(seed)
    k1, k2 = jax.random.split(key)
    visual_tokens = jax.random.normal(k1, (8, 8192, 1024), dtype=jnp.float32)
    scores = jax.random.normal(k2, (8, 8192), dtype=jnp.float32)
    return {"visual_tokens": visual_tokens, "scores": scores}


def reference(visual_tokens, scores):
    # TokenPruner.forward with keep_ratio=0.25 (scalar), sorted_output=True, use_merging=False
    B, N, D = visual_tokens.shape
    K = max(1, int(N * float(KEEP_RATIO)))
    # top-k over scores
    kept_scores, kept_indices = jax.lax.top_k(scores, K)
    # sorted_output=True: re-order kept tokens by original spatial index
    sort_order = jnp.argsort(kept_indices, axis=-1)
    kept_indices = jnp.take_along_axis(kept_indices, sort_order, axis=-1)
    kept_scores = jnp.take_along_axis(kept_scores, sort_order, axis=-1)
    # gather kept tokens: [B, K, D]
    kept_tokens = jnp.take_along_axis(visual_tokens, kept_indices[:, :, None], axis=1)
    return (kept_tokens, kept_indices, kept_scores)

if __name__ == "__main__":
    import jax
    _d = setup_inputs()
    print(jax.jit(kernel)(*tuple(_d.values())))

</pallas_src>

<mosaic_0001>
#map = affine_map<(d0, d1) -> (0, 0)>
#map1 = affine_map<(d0, d1) -> (0)>
module attributes {stable_mosaic.version = 14 : i64} {
  func.func @_pruner_body(%arg0: i32, %arg1: i32, %arg2: memref<65536x1024xf32, #tpu.memory_space<hbm>>, %arg3: memref<65536xi32, #tpu.memory_space<hbm>>, %arg4: memref<16384x1024xf32, #tpu.memory_space<hbm>>, %arg5: memref<16384xi32, #tpu.memory_space<hbm>>, %arg6: memref<16384xi32, #tpu.memory_space<hbm>>, %arg7: memref<8192xi32, #tpu.memory_space<vmem>>, %arg8: memref<16448xi32, #tpu.memory_space<vmem>>, %arg9: memref<2048xi32, #tpu.memory_space<vmem>>, %arg10: memref<2064xi32, #tpu.memory_space<vmem>>, %arg11: memref<2064xi32, #tpu.memory_space<vmem>>, %arg12: memref<512xi32, #tpu.memory_space<vmem>>, %arg13: memref<6x16x1024xf32, #tpu.memory_space<vmem>>, %arg14: memref<6x!tpu.dma_semaphore, #tpu.memory_space<semaphore_mem>>, %arg15: memref<6x!tpu.dma_semaphore, #tpu.memory_space<semaphore_mem>>) attributes {dimension_semantics = [#tpu.dimension_semantics<core_parallel>, #tpu.dimension_semantics<subcore_parallel>], iteration_bounds = array<i64: 2, 16>, scalar_prefetch = 0 : i64, scratch_operands = 9 : i64, tpu.core_type = #tpu.core_type<sc_vector_subcore>, window_params = [{transform_indices = #map}, {transform_indices = #map1}, {transform_indices = #map}, {transform_indices = #map1}, {transform_indices = #map1}]} {
    %lt3A = arith.constant 4 : i32
    %lt3A_0 = arith.cmpi slt, %arg1, %lt3A : i32
    %convert_element_type3A = arith.extui %lt3A_0 : i1 to i32
    %cond3A = arith.constant 0 : i32
    %cond3A_1 = arith.cmpi ne, %convert_element_type3A, %cond3A : i32
    scf.if %cond3A_1 {
      %mul3A_137 = arith.constant 4 : i32
      %mul3A_138 = arith.muli %arg0, %mul3A_137 : i32
      %add3A_139 = arith.addi %mul3A_138, %arg1 : i32
      %mul3A_140 = arith.constant 8192 : i32
      %mul3A_141 = arith.muli %add3A_139, %mul3A_140 : i32
      "tpu.region"() ({
        %run_scoped3A = tpu.sem_alloc : memref<!tpu.dma_semaphore, #tpu.memory_space<semaphore_mem>>
        %dma_start3A_215 = tpu.memref_slice %arg3[%mul3A_141] : memref<65536xi32, #tpu.memory_space<hbm>> -> memref<8192xi32, #tpu.memory_space<hbm>>
        %dma_start3A_216 = tpu.memref_slice %arg3[%mul3A_141] : memref<65536xi32, #tpu.memory_space<hbm>> -> memref<8192xi32, #tpu.memory_space<hbm>>
        tpu.enqueue_dma source(%dma_start3A_216 : memref<8192xi32, #tpu.memory_space<hbm>>) target(%arg7 : memref<8192xi32, #tpu.memory_space<vmem>>) target_semaphore(%run_scoped3A : memref<!tpu.dma_semaphore, #tpu.memory_space<semaphore_mem>>)
        %dma_wait3A_217 = tpu.memref_slice %arg3[%mul3A_141] : memref<65536xi32, #tpu.memory_space<hbm>> -> memref<8192xi32, #tpu.memory_space<hbm>>
        %dma_wait3A_218 = tpu.memref_slice %arg3[%mul3A_141] : memref<65536xi32, #tpu.memory_space<hbm>> -> memref<8192xi32, #tpu.memory_space<hbm>>
        tpu.wait_dma2 semaphore(%run_scoped3A : memref<!tpu.dma_semaphore, #tpu.memory_space<semaphore_mem>>) src(%dma_wait3A_218 : memref<8192xi32, #tpu.memory_space<hbm>>) dst(%arg7 : memref<8192xi32, #tpu.memory_space<vmem>>)
        tpu.yield
      }) : () -> ()
      %iota3A = tpu.iota {dimensions = array<i32: 0>} : vector<16xi32>
      %broadcast_in_dim3A = arith.constant 0 : i32
      %broadcast_in_dim3A_142 = vector.broadcast %broadcast_in_dim3A : i32 to vector<16xi32>
      %broadcast_in_dim3A_143 = arith.constant 1 : i32
      %broadcast_in_dim3A_144 = vector.broadcast %broadcast_in_dim3A_143 : i32 to vector<16xi32>
      %scan3A_145 = arith.constant 0 : i32
      %scan3A_146 = arith.constant 0 : i32
      %scan3A_147 = arith.constant 128 : i32
      %scan3A_148 = arith.addi %scan3A_146, %scan3A_147 : i32
      %scan3A_149 = arith.constant 1 : i32
      %scan3A_150 = scf.for %scan3A_215 = %scan3A_146 to %scan3A_148 step %scan3A_149 iter_args(%scan3A_216 = %scan3A_145) -> (i32)  : i32 {
        %mul3A_217 = arith.constant 16 : i32
        %mul3A_218 = arith.muli %scan3A_215, %mul3A_217 : i32
        %swap3A = arith.index_cast %mul3A_218 : i32 to index
        %swap3A_219 = tpu.vector_load %arg9[%swap3A] {strides = array<i32>} : memref<2048xi32, #tpu.memory_space<vmem>>, vector<16xi32>,
        tpu.vector_store %arg9[%swap3A], %broadcast_in_dim3A_142 {strides = array<i32>} : memref<2048xi32, #tpu.memory_space<vmem>>, vector<16xi32>,
        %scan3A_220 = arith.constant 0 : i32
        scf.yield %scan3A_220 : i32
      }
      %scan3A_151 = arith.constant 128 : i32
      %scan3A_152 = arith.constant 0 : i32
      %scan3A_153 = arith.constant 0 : i32
      %scan3A_154 = arith.constant 256 : i32
      %scan3A_155 = arith.addi %scan3A_153, %scan3A_154 : i32
      %scan3A_156 = arith.constant 1 : i32
      %scan3A_157 = scf.for %scan3A_215 = %scan3A_153 to %scan3A_155 step %scan3A_156 iter_args(%scan3A_216 = %scan3A_152) -> (i32)  : i32 {
        %mul3A_217 = arith.constant 2 : i32
        %mul3A_218 = arith.muli %mul3A_217, %scan3A_215 : i32
        %add3A_219 = arith.constant 0 : i32
        %add3A_220 = arith.addi %mul3A_218, %add3A_219 : i32
        %mul3A_221 = arith.constant 16 : i32
        %mul3A_222 = arith.muli %add3A_220, %mul3A_221 : i32
        %get3A = arith.index_cast %mul3A_222 : i32 to index
        %get3A_223 = tpu.vector_load %arg7[%get3A] {strides = array<i32>} : memref<8192xi32, #tpu.memory_space<vmem>>, vector<16xi32>,
        %shift_right_arithmetic3A = arith.constant 31 : i32
        %shift_right_arithmetic3A_224 = vector.broadcast %shift_right_arithmetic3A : i32 to vector<16xi32>
        %shift_right_arithmetic3A_225 = arith.shrsi %get3A_223, %shift_right_arithmetic3A_224 : vector<16xi32>
        %and3A_226 = arith.constant 2147483647 : i32
        %and3A_227 = vector.broadcast %and3A_226 : i32 to vector<16xi32>
        %and3A_228 = arith.andi %shift_right_arithmetic3A_225, %and3A_227 : vector<16xi32>
        %xor3A_229 = arith.xori %get3A_223, %and3A_228 : vector<16xi32>
        %xor3A_230 = arith.constant -2147483648 : i32
        %xor3A_231 = vector.broadcast %xor3A_230 : i32 to vector<16xi32>
        %xor3A_232 = arith.xori %xor3A_229, %xor3A_231 : vector<16xi32>
        %shift_right_logical3A = arith.constant 21 : i32
        %shift_right_logical3A_233 = vector.broadcast %shift_right_logical3A : i32 to vector<16xi32>
        %shift_right_logical3A_234 = arith.shrui %xor3A_232, %shift_right_logical3A_233 : vector<16xi32>
        tpu.vector_store_idx %arg9[%shift_right_logical3A_234], %broadcast_in_dim3A_144 {add = true} : memref<2048xi32, #tpu.memory_space<vmem>>[vector<16xi32>], vector<16xi32>,
        %mul3A_235 = arith.constant 2 : i32
        %mul3A_236 = arith.muli %mul3A_235, %scan3A_215 : i32
        %add3A_237 = arith.constant 1 : i32
        %add3A_238 = arith.addi %mul3A_236, %add3A_237 : i32
        %mul3A_239 = arith.constant 16 : i32
        %mul3A_240 = arith.muli %add3A_238, %mul3A_239 : i32
        %get3A_241 = arith.index_cast %mul3A_240 : i32 to index
        %get3A_242 = tpu.vector_load %arg7[%get3A_241] {strides = array<i32>} : memref<8192xi32, #tpu.memory_space<vmem>>, vector<16xi32>,
        %shift_right_arithmetic3A_243 = arith.constant 31 : i32
        %shift_right_arithmetic3A_244 = vector.broadcast %shift_right_arithmetic3A_243 : i32 to vector<16xi32>
        %shift_right_arithmetic3A_245 = arith.shrsi %get3A_242, %shift_right_arithmetic3A_244 : vector<16xi32>
        %and3A_246 = arith.constant 2147483647 : i32
        %and3A_247 = vector.broadcast %and3A_246 : i32 to vector<16xi32>
        %and3A_248 = arith.andi %shift_right_arithmetic3A_245, %and3A_247 : vector<16xi32>
        %xor3A_249 = arith.xori %get3A_242, %and3A_248 : vector<16xi32>
        %xor3A_250 = arith.constant -2147483648 : i32
        %xor3A_251 = vector.broadcast %xor3A_250 : i32 to vector<16xi32>
        %xor3A_252 = arith.xori %xor3A_249, %xor3A_251 : vector<16xi32>
        %shift_right_logical3A_253 = arith.constant 21 : i32
        %shift_right_logical3A_254 = vector.broadcast %shift_right_logical3A_253 : i32 to vector<16xi32>
        %shift_right_logical3A_255 = arith.shrui %xor3A_252, %shift_right_logical3A_254 : vector<16xi32>
        tpu.vector_store_idx %arg9[%shift_right_logical3A_255], %broadcast_in_dim3A_144 {add = true} : memref<2048xi32, #tpu.memory_space<vmem>>[vector<16xi32>], vector<16xi32>,
        %scan3A_256 = arith.constant 0 : i32
        scf.yield %scan3A_256 : i32
      }
      %scan3A_158 = arith.constant 256 : i32
      %broadcast_in_dim3A_159 = arith.constant -1 : i32
      %broadcast_in_dim3A_160 = vector.broadcast %broadcast_in_dim3A_159 : i32 to vector<16xi32>
      %broadcast_in_dim3A_161 = arith.constant -1 : i32
      %broadcast_in_dim3A_162 = vector.broadcast %broadcast_in_dim3A_161 : i32 to vector<16xi32>
      %scan3A_163 = arith.constant 0 : i32
      %scan3A_164 = arith.constant 0 : i32
      %scan3A_165 = arith.constant 128 : i32
      %scan3A_166 = arith.addi %scan3A_164, %scan3A_165 : i32
      %scan3A_167 = arith.constant 1 : i32
      %scan3A_168:3 = scf.for %scan3A_215 = %scan3A_164 to %scan3A_166 step %scan3A_167 iter_args(%scan3A_216 = %scan3A_163, %scan3A_217 = %broadcast_in_dim3A_160, %scan3A_218 = %broadcast_in_dim3A_162) -> (i32, vector<16xi32>, vector<16xi32>)  : i32 {
        %sub3A_219 = arith.constant 127 : i32
        %sub3A_220 = arith.subi %sub3A_219, %scan3A_215 : i32
        %mul3A_221 = arith.constant 16 : i32
        %mul3A_222 = arith.muli %sub3A_220, %mul3A_221 : i32
        %get3A = arith.index_cast %mul3A_222 : i32 to index
        %get3A_223 = tpu.vector_load %arg9[%get3A] {strides = array<i32>} : memref<2048xi32, #tpu.memory_space<vmem>>, vector<16xi32>,
        %rev3A = arith.constant 15 : i32
        %rev3A_224 = vector.broadcast %rev3A : i32 to vector<16xi32>
        %rev3A_225 = tpu.iota {dimensions = array<i32: 0>} : vector<16xi32>
        %rev3A_226 = arith.subi %rev3A_224, %rev3A_225 : vector<16xi32>
        %rev3A_227 = tpu.dynamic_gather %get3A_223[%rev3A_226] in [0] : vector<16xi32>, vector<16xi32> -> vector<16xi32>
        %broadcast_in_dim3A_228 = arith.constant true
        %broadcast_in_dim3A_229 = vector.broadcast %broadcast_in_dim3A_228 : i1 to vector<16xi1>
        %masked_cumsum3A = tpu.scan <sum>, %rev3A_227 masked %broadcast_in_dim3A_229 : vector<16xi32>, vector<16xi1> -> vector<16xi32>
        %rev3A_230 = arith.constant 15 : i32
        %rev3A_231 = vector.broadcast %rev3A_230 : i32 to vector<16xi32>
        %rev3A_232 = tpu.iota {dimensions = array<i32: 0>} : vector<16xi32>
        %rev3A_233 = arith.subi %rev3A_231, %rev3A_232 : vector<16xi32>
        %rev3A_234 = tpu.dynamic_gather %masked_cumsum3A[%rev3A_233] in [0] : vector<16xi32>, vector<16xi32> -> vector<16xi32>
        %add3A_235 = vector.broadcast %scan3A_216 : i32 to vector<16xi32>
        %add3A_236 = arith.addi %rev3A_234, %add3A_235 : vector<16xi32>
        %ge3A = arith.constant 2048 : i32
        %ge3A_237 = vector.broadcast %ge3A : i32 to vector<16xi32>
        %ge3A_238 = arith.cmpi sge, %add3A_236, %ge3A_237 : vector<16xi32>
        %sub3A_239 = arith.subi %add3A_236, %get3A_223 : vector<16xi32>
        %lt3A_240 = arith.constant 2048 : i32
        %lt3A_241 = vector.broadcast %lt3A_240 : i32 to vector<16xi32>
        %lt3A_242 = arith.cmpi slt, %sub3A_239, %lt3A_241 : vector<16xi32>
        %and3A_243 = arith.andi %ge3A_238, %lt3A_242 : vector<16xi1>
        %mul3A_244 = arith.constant 16 : i32
        %mul3A_245 = arith.muli %sub3A_220, %mul3A_244 : i32
        %add3A_246 = vector.broadcast %mul3A_245 : i32 to vector<16xi32>
        %add3A_247 = arith.addi %add3A_246, %iota3A : vector<16xi32>
        %select_n3A_248 = arith.select %and3A_243, %add3A_247, %scan3A_217 : vector<16xi1>, vector<16xi32>
        %sub3A_249 = arith.subi %add3A_236, %get3A_223 : vector<16xi32>
        %select_n3A_250 = arith.select %and3A_243, %sub3A_249, %scan3A_218 : vector<16xi1>, vector<16xi32>
        %slice3A = vector.extract_strided_slice %add3A_236 {offsets = [0], sizes = [1], strides = [1]} : vector<16xi32> to vector<1xi32>
        %squeeze3A = vector.extract %slice3A[0] : i32 from vector<1xi32>
        scf.yield %squeeze3A, %select_n3A_248, %select_n3A_250 : i32, vector<16xi32>, vector<16xi32>
      }
      %scan3A_169 = arith.constant 128 : i32
      %reduce_max3A = arith.constant true
      %reduce_max3A_170 = vector.broadcast %reduce_max3A : i1 to vector<16xi1>
      %reduce_max3A_171 = arith.constant -2147483648 : i32
      %reduce_max3A_172 = vector.broadcast %reduce_max3A_171 : i32 to vector<16xi32>
      %reduce_max3A_173 = arith.xori %scan3A_168#1, %reduce_max3A_172 : vector<16xi32>
      %reduce_max3A_174 = tpu.scan <max>, %reduce_max3A_173 masked %reduce_max3A_170 : vector<16xi32>, vector<16xi1> -> vector<16xi32>
      %reduce_max3A_175 = arith.xori %reduce_max3A_174, %reduce_max3A_172 : vector<16xi32>
      %reduce_max3A_176 = vector.extract %reduce_max3A_175[15] : i32 from vector<16xi32>
      %reduce_max3A_177 = arith.constant true
      %reduce_max3A_178 = vector.broadcast %reduce_max3A_177 : i1 to vector<16xi1>
      %reduce_max3A_179 = arith.constant -2147483648 : i32
      %reduce_max3A_180 = vector.broadcast %reduce_max3A_179 : i32 to vector<16xi32>
      %reduce_max3A_181 = arith.xori %scan3A_168#2, %reduce_max3A_180 : vector<16xi32>
      %reduce_max3A_182 = tpu.scan <max>, %reduce_max3A_181 masked %reduce_max3A_178 : vector<16xi32>, vector<16xi1> -> vector<16xi32>
      %reduce_max3A_183 = arith.xori %reduce_max3A_182, %reduce_max3A_180 : vector<16xi32>
      %reduce_max3A_184 = vector.extract %reduce_max3A_183[15] : i32 from vector<16xi32>
      %scan3A_185 = arith.constant 0 : i32
      %scan3A_186 = arith.constant 0 : i32
      %scan3A_187 = arith.constant 256 : i32
      %scan3A_188 = arith.addi %scan3A_186, %scan3A_187 : i32
      %scan3A_189 = arith.constant 1 : i32
      %scan3A_190 = scf.for %scan3A_215 = %scan3A_186 to %scan3A_188 step %scan3A_189 iter_args(%scan3A_216 = %scan3A_185) -> (i32)  : i32 {
        %mul3A_217 = arith.constant 2 : i32
        %mul3A_218 = arith.muli %mul3A_217, %scan3A_215 : i32
        %add3A_219 = arith.constant 0 : i32
        %add3A_220 = arith.addi %mul3A_218, %add3A_219 : i32
        %mul3A_221 = arith.constant 16 : i32
        %mul3A_222 = arith.muli %add3A_220, %mul3A_221 : i32
        %get3A = arith.index_cast %mul3A_222 : i32 to index
        %get3A_223 = tpu.vector_load %arg7[%get3A] {strides = array<i32>} : memref<8192xi32, #tpu.memory_space<vmem>>, vector<16xi32>,
        %shift_right_arithmetic3A = arith.constant 31 : i32
        %shift_right_arithmetic3A_224 = vector.broadcast %shift_right_arithmetic3A : i32 to vector<16xi32>
        %shift_right_arithmetic3A_225 = arith.shrsi %get3A_223, %shift_right_arithmetic3A_224 : vector<16xi32>
        %and3A_226 = arith.constant 2147483647 : i32
        %and3A_227 = vector.broadcast %and3A_226 : i32 to vector<16xi32>
        %and3A_228 = arith.andi %shift_right_arithmetic3A_225, %and3A_227 : vector<16xi32>
        %xor3A_229 = arith.xori %get3A_223, %and3A_228 : vector<16xi32>
        %xor3A_230 = arith.constant -2147483648 : i32
        %xor3A_231 = vector.broadcast %xor3A_230 : i32 to vector<16xi32>
        %xor3A_232 = arith.xori %xor3A_229, %xor3A_231 : vector<16xi32>
        %shift_right_logical3A = arith.constant 21 : i32
        %shift_right_logical3A_233 = vector.broadcast %shift_right_logical3A : i32 to vector<16xi32>
        %shift_right_logical3A_234 = arith.shrui %xor3A_232, %shift_right_logical3A_233 : vector<16xi32>
        %eq3A_235 = vector.broadcast %reduce_max3A_176 : i32 to vector<16xi32>
        %eq3A_236 = arith.cmpi eq, %shift_right_logical3A_234, %eq3A_235 : vector<16xi32>
        %swap3A = arith.index_cast %scan3A_216 : i32 to index
        %swap3A_237 = tpu.vector_load %arg8[%swap3A] masked %eq3A_236 {strides = array<i32>} : memref<16448xi32, #tpu.memory_space<vmem>>, vector<16xi32>, vector<16xi1>
        tpu.vector_store %arg8[%swap3A], %xor3A_232 masked %eq3A_236 {strides = array<i32>} : memref<16448xi32, #tpu.memory_space<vmem>>, vector<16xi32>, vector<16xi1>
        %all_reduce_population_count3A = tpu.all_reduce %eq3A_236 {dim = 0 : i64, kind = #tpu.reduction_kind<sum>} : vector<16xi1> -> vector<16xi32>
        %slice3A = vector.extract_strided_slice %all_reduce_population_count3A {offsets = [0], sizes = [1], strides = [1]} : vector<16xi32> to vector<1xi32>
        %squeeze3A = vector.extract %slice3A[0] : i32 from vector<1xi32>
        %add3A_238 = arith.addi %scan3A_216, %squeeze3A : i32
        %mul3A_239 = arith.constant 2 : i32
        %mul3A_240 = arith.muli %mul3A_239, %scan3A_215 : i32
        %add3A_241 = arith.constant 1 : i32
        %add3A_242 = arith.addi %mul3A_240, %add3A_241 : i32
        %mul3A_243 = arith.constant 16 : i32
        %mul3A_244 = arith.muli %add3A_242, %mul3A_243 : i32
        %get3A_245 = arith.index_cast %mul3A_244 : i32 to index
        %get3A_246 = tpu.vector_load %arg7[%get3A_245] {strides = array<i32>} : memref<8192xi32, #tpu.memory_space<vmem>>, vector<16xi32>,
        %shift_right_arithmetic3A_247 = arith.constant 31 : i32
        %shift_right_arithmetic3A_248 = vector.broadcast %shift_right_arithmetic3A_247 : i32 to vector<16xi32>
        %shift_right_arithmetic3A_249 = arith.shrsi %get3A_246, %shift_right_arithmetic3A_248 : vector<16xi32>
        %and3A_250 = arith.constant 2147483647 : i32
        %and3A_251 = vector.broadcast %and3A_250 : i32 to vector<16xi32>
        %and3A_252 = arith.andi %shift_right_arithmetic3A_249, %and3A_251 : vector<16xi32>
        %xor3A_253 = arith.xori %get3A_246, %and3A_252 : vector<16xi32>
        %xor3A_254 = arith.constant -2147483648 : i32
        %xor3A_255 = vector.broadcast %xor3A_254 : i32 to vector<16xi32>
        %xor3A_256 = arith.xori %xor3A_253, %xor3A_255 : vector<16xi32>
        %shift_right_logical3A_257 = arith.constant 21 : i32
        %shift_right_logical3A_258 = vector.broadcast %shift_right_logical3A_257 : i32 to vector<16xi32>
        %shift_right_logical3A_259 = arith.shrui %xor3A_256, %shift_right_logical3A_258 : vector<16xi32>
        %eq3A_260 = vector.broadcast %reduce_max3A_176 : i32 to vector<16xi32>
        %eq3A_261 = arith.cmpi eq, %shift_right_logical3A_259, %eq3A_260 : vector<16xi32>
        %swap3A_262 = arith.index_cast %add3A_238 : i32 to index
        %swap3A_263 = tpu.vector_load %arg8[%swap3A_262] masked %eq3A_261 {strides = array<i32>} : memref<16448xi32, #tpu.memory_space<vmem>>, vector<16xi32>, vector<16xi1>
        tpu.vector_store %arg8[%swap3A_262], %xor3A_256 masked %eq3A_261 {strides = array<i32>} : memref<16448xi32, #tpu.memory_space<vmem>>, vector<16xi32>, vector<16xi1>
        %all_reduce_population_count3A_264 = tpu.all_reduce %eq3A_261 {dim = 0 : i64, kind = #tpu.reduction_kind<sum>} : vector<16xi1> -> vector<16xi32>
        %slice3A_265 = vector.extract_strided_slice %all_reduce_population_count3A_264 {offsets = [0], sizes = [1], strides = [1]} : vector<16xi32> to vector<1xi32>
        %squeeze3A_266 = vector.extract %slice3A_265[0] : i32 from vector<1xi32>
        %add3A_267 = arith.addi %add3A_238, %squeeze3A_266 : i32
        scf.yield %add3A_267 : i32
      }
      %scan3A_191 = arith.constant 256 : i32
      %shift_left3A = arith.constant 21 : i32
      %shift_left3A_192 = arith.shli %reduce_max3A_176, %shift_left3A : i32
      %scan3A_193 = arith.constant 0 : i32
      %scan3A_194 = arith.constant 11 : i32
      %scan3A_195 = arith.constant 21 : i32
      %scan3A_196 = arith.addi %scan3A_194, %scan3A_195 : i32
      %scan3A_197 = arith.constant 1 : i32
      %scan3A_198:4 = scf.for %scan3A_215 = %scan3A_194 to %scan3A_196 step %scan3A_197 iter_args(%scan3A_216 = %reduce_max3A_184, %scan3A_217 = %scan3A_190, %scan3A_218 = %shift_left3A_192, %scan3A_219 = %scan3A_193) -> (i32, i32, i32, i32)  : i32 {
        %sub3A_220 = arith.constant 31 : i32
        %sub3A_221 = arith.subi %sub3A_220, %scan3A_215 : i32
        %sub3A_222 = arith.constant 8192 : i32
        %sub3A_223 = arith.subi %sub3A_222, %scan3A_219 : i32
        %add3A_224 = arith.constant 31 : i32
        %add3A_225 = arith.addi %scan3A_217, %add3A_224 : i32
        %jit3A_226 = arith.constant 32 : i32
        %div3A_227 = arith.divsi %add3A_225, %jit3A_226 : i32
        %sign3A_228 = arith.constant 0 : i32
        %sign3A_229 = arith.cmpi sgt, %add3A_225, %sign3A_228 : i32
        %sign3A_230 = arith.extui %sign3A_229 : i1 to i32
        %sign3A_231 = arith.constant 0 : i32
        %sign3A_232 = arith.cmpi slt, %add3A_225, %sign3A_231 : i32
        %sign3A_233 = arith.extui %sign3A_232 : i1 to i32
        %sign3A_234 = arith.subi %sign3A_230, %sign3A_233 : i32
        %sign3A_235 = arith.constant 0 : i32
        %sign3A_236 = arith.cmpi sgt, %jit3A_226, %sign3A_235 : i32
        %sign3A_237 = arith.extui %sign3A_236 : i1 to i32
        %sign3A_238 = arith.constant 0 : i32
        %sign3A_239 = arith.cmpi slt, %jit3A_226, %sign3A_238 : i32
        %sign3A_240 = arith.extui %sign3A_239 : i1 to i32
        %sign3A_241 = arith.subi %sign3A_237, %sign3A_240 : i32
        %ne3A_242 = arith.cmpi ne, %sign3A_234, %sign3A_241 : i32
        %rem3A_243 = arith.remsi %add3A_225, %jit3A_226 : i32
        %ne3A_244 = arith.constant 0 : i32
        %ne3A_245 = arith.cmpi ne, %rem3A_243, %ne3A_244 : i32
        %and3A_246 = arith.andi %ne3A_242, %ne3A_245 : i1
        %sub3A_247 = arith.constant 1 : i32
        %sub3A_248 = arith.subi %div3A_227, %sub3A_247 : i32
        %select_n3A_249 = arith.select %and3A_246, %sub3A_248, %div3A_227 : i32
        %while3A = arith.constant 0 : i32
        %while3A_250 = arith.constant 0 : i32
        %while3A_251 = arith.constant 0 : i32
        %while3A_252 = arith.subi %select_n3A_249, %while3A : i32
        %while3A_253 = arith.addi %while3A, %while3A_252 : i32
        %while3A_254 = arith.constant 1 : i32
        %while3A_255 = arith.divsi %while3A_252, %while3A_254 : i32
        %while3A_256 = arith.muli %while3A_255, %while3A_254 : i32
        %while3A_257 = arith.addi %while3A, %while3A_256 : i32
        %while3A_258 = arith.constant 1 : i32
        %while3A_259:2 = scf.for %while3A_278 = %while3A to %while3A_257 step %while3A_258 iter_args(%while3A_279 = %while3A_250, %while3A_280 = %while3A_251) -> (i32, i32)  : i32 {
          %mul3A_281 = arith.constant 2 : i32
          %mul3A_282 = arith.muli %while3A_278, %mul3A_281 : i32
          %mul3A_283 = arith.constant 16 : i32
          %mul3A_284 = arith.muli %mul3A_282, %mul3A_283 : i32
          %add3A_285 = arith.constant 0 : i32
          %add3A_286 = arith.addi %mul3A_284, %add3A_285 : i32
          %add3A_287 = arith.addi %scan3A_219, %add3A_286 : i32
          %get3A = arith.index_cast %add3A_287 : i32 to index
          %get3A_288 = tpu.vector_load %arg8[%get3A] {strides = array<i32>} : memref<16448xi32, #tpu.memory_space<vmem>>, vector<16xi32>,
          %add3A_289 = vector.broadcast %add3A_286 : i32 to vector<16xi32>
          %add3A_290 = arith.addi %add3A_289, %iota3A : vector<16xi32>
          %lt3A_291 = vector.broadcast %scan3A_217 : i32 to vector<16xi32>
          %lt3A_292 = arith.cmpi slt, %add3A_290, %lt3A_291 : vector<16xi32>
          %shift_right_logical3A = vector.broadcast %sub3A_221 : i32 to vector<16xi32>
          %shift_right_logical3A_293 = arith.shrui %get3A_288, %shift_right_logical3A : vector<16xi32>
          %and3A_294 = arith.constant 1 : i32
          %and3A_295 = vector.broadcast %and3A_294 : i32 to vector<16xi32>
          %and3A_296 = arith.andi %shift_right_logical3A_293, %and3A_295 : vector<16xi32>
          %eq3A_297 = arith.constant 1 : i32
          %eq3A_298 = vector.broadcast %eq3A_297 : i32 to vector<16xi32>
          %eq3A_299 = arith.cmpi eq, %and3A_296, %eq3A_298 : vector<16xi32>
          %and3A_300 = arith.andi %lt3A_292, %eq3A_299 : vector<16xi1>
          %not3A = arith.constant dense<true> : vector<16xi1>
          %not3A_301 = arith.xori %and3A_300, %not3A : vector<16xi1>
          %and3A_302 = arith.andi %lt3A_292, %not3A_301 : vector<16xi1>
          %add3A_303 = arith.addi %scan3A_219, %while3A_279 : i32
          %swap3A = arith.index_cast %add3A_303 : i32 to index
          %swap3A_304 = tpu.vector_load %arg8[%swap3A] masked %and3A_302 {strides = array<i32>} : memref<16448xi32, #tpu.memory_space<vmem>>, vector<16xi32>, vector<16xi1>
          tpu.vector_store %arg8[%swap3A], %get3A_288 masked %and3A_302 {strides = array<i32>} : memref<16448xi32, #tpu.memory_space<vmem>>, vector<16xi32>, vector<16xi1>
          %all_reduce_population_count3A = tpu.all_reduce %and3A_302 {dim = 0 : i64, kind = #tpu.reduction_kind<sum>} : vector<16xi1> -> vector<16xi32>
          %slice3A = vector.extract_strided_slice %all_reduce_population_count3A {offsets = [0], sizes = [1], strides = [1]} : vector<16xi32> to vector<1xi32>
          %squeeze3A = vector.extract %slice3A[0] : i32 from vector<1xi32>
          %add3A_305 = arith.addi %while3A_279, %squeeze3A : i32
          %add3A_306 = arith.addi %sub3A_223, %while3A_280 : i32
          %swap3A_307 = arith.index_cast %add3A_306 : i32 to index
          %swap3A_308 = tpu.vector_load %arg8[%swap3A_307] masked %and3A_300 {strides = array<i32>} : memref<16448xi32, #tpu.memory_space<vmem>>, vector<16xi32>, vector<16xi1>
          tpu.vector_store %arg8[%swap3A_307], %get3A_288 masked %and3A_300 {strides = array<i32>} : memref<16448xi32, #tpu.memory_space<vmem>>, vector<16xi32>, vector<16xi1>
          %all_reduce_population_count3A_309 = tpu.all_reduce %and3A_300 {dim = 0 : i64, kind = #tpu.reduction_kind<sum>} : vector<16xi1> -> vector<16xi32>
          %slice3A_310 = vector.extract_strided_slice %all_reduce_population_count3A_309 {offsets = [0], sizes = [1], strides = [1]} : vector<16xi32> to vector<1xi32>
          %squeeze3A_311 = vector.extract %slice3A_310[0] : i32 from vector<1xi32>
          %add3A_312 = arith.addi %while3A_280, %squeeze3A_311 : i32
          %mul3A_313 = arith.constant 2 : i32
          %mul3A_314 = arith.muli %while3A_278, %mul3A_313 : i32
          %mul3A_315 = arith.constant 16 : i32
          %mul3A_316 = arith.muli %mul3A_314, %mul3A_315 : i32
          %add3A_317 = arith.constant 16 : i32
          %add3A_318 = arith.addi %mul3A_316, %add3A_317 : i32
          %add3A_319 = arith.addi %scan3A_219, %add3A_318 : i32
          %get3A_320 = arith.index_cast %add3A_319 : i32 to index
          %get3A_321 = tpu.vector_load %arg8[%get3A_320] {strides = array<i32>} : memref<16448xi32, #tpu.memory_space<vmem>>, vector<16xi32>,
          %add3A_322 = vector.broadcast %add3A_318 : i32 to vector<16xi32>
          %add3A_323 = arith.addi %add3A_322, %iota3A : vector<16xi32>
          %lt3A_324 = vector.broadcast %scan3A_217 : i32 to vector<16xi32>
          %lt3A_325 = arith.cmpi slt, %add3A_323, %lt3A_324 : vector<16xi32>
          %shift_right_logical3A_326 = vector.broadcast %sub3A_221 : i32 to vector<16xi32>
          %shift_right_logical3A_327 = arith.shrui %get3A_321, %shift_right_logical3A_326 : vector<16xi32>
          %and3A_328 = arith.constant 1 : i32
          %and3A_329 = vector.broadcast %and3A_328 : i32 to vector<16xi32>
          %and3A_330 = arith.andi %shift_right_logical3A_327, %and3A_329 : vector<16xi32>
          %eq3A_331 = arith.constant 1 : i32
          %eq3A_332 = vector.broadcast %eq3A_331 : i32 to vector<16xi32>
          %eq3A_333 = arith.cmpi eq, %and3A_330, %eq3A_332 : vector<16xi32>
          %and3A_334 = arith.andi %lt3A_325, %eq3A_333 : vector<16xi1>
          %not3A_335 = arith.constant dense<true> : vector<16xi1>
          %not3A_336 = arith.xori %and3A_334, %not3A_335 : vector<16xi1>
          %and3A_337 = arith.andi %lt3A_325, %not3A_336 : vector<16xi1>
          %add3A_338 = arith.addi %scan3A_219, %add3A_305 : i32
          %swap3A_339 = arith.index_cast %add3A_338 : i32 to index
          %swap3A_340 = tpu.vector_load %arg8[%swap3A_339] masked %and3A_337 {strides = array<i32>} : memref<16448xi32, #tpu.memory_space<vmem>>, vector<16xi32>, vector<16xi1>
          tpu.vector_store %arg8[%swap3A_339], %get3A_321 masked %and3A_337 {strides = array<i32>} : memref<16448xi32, #tpu.memory_space<vmem>>, vector<16xi32>, vector<16xi1>
          %all_reduce_population_count3A_341 = tpu.all_reduce %and3A_337 {dim = 0 : i64, kind = #tpu.reduction_kind<sum>} : vector<16xi1> -> vector<16xi32>
          %slice3A_342 = vector.extract_strided_slice %all_reduce_population_count3A_341 {offsets = [0], sizes = [1], strides = [1]} : vector<16xi32> to vector<1xi32>
          %squeeze3A_343 = vector.extract %slice3A_342[0] : i32 from vector<1xi32>
          %add3A_344 = arith.addi %add3A_305, %squeeze3A_343 : i32
          %add3A_345 = arith.addi %sub3A_223, %add3A_312 : i32
          %swap3A_346 = arith.index_cast %add3A_345 : i32 to index
          %swap3A_347 = tpu.vector_load %arg8[%swap3A_346] masked %and3A_334 {strides = array<i32>} : memref<16448xi32, #tpu.memory_space<vmem>>, vector<16xi32>, vector<16xi1>
          tpu.vector_store %arg8[%swap3A_346], %get3A_321 masked %and3A_334 {strides = array<i32>} : memref<16448xi32, #tpu.memory_space<vmem>>, vector<16xi32>, vector<16xi1>
          %all_reduce_population_count3A_348 = tpu.all_reduce %and3A_334 {dim = 0 : i64, kind = #tpu.reduction_kind<sum>} : vector<16xi1> -> vector<16xi32>
          %slice3A_349 = vector.extract_strided_slice %all_reduce_population_count3A_348 {offsets = [0], sizes = [1], strides = [1]} : vector<16xi32> to vector<1xi32>
          %squeeze3A_350 = vector.extract %slice3A_349[0] : i32 from vector<1xi32>
          %add3A_351 = arith.addi %add3A_312, %squeeze3A_350 : i32
          scf.yield %add3A_344, %add3A_351 : i32, i32
        }
        %while3A_260 = arith.constant 1 : i32
        %while3A_261:2 = scf.for %while3A_278 = %while3A_257 to %while3A_253 step %while3A_260 iter_args(%while3A_279 = %while3A_259#0, %while3A_280 = %while3A_259#1) -> (i32, i32)  : i32 {
          %mul3A_281 = arith.constant 2 : i32
          %mul3A_282 = arith.muli %while3A_278, %mul3A_281 : i32
          %mul3A_283 = arith.constant 16 : i32
          %mul3A_284 = arith.muli %mul3A_282, %mul3A_283 : i32
          %add3A_285 = arith.constant 0 : i32
          %add3A_286 = arith.addi %mul3A_284, %add3A_285 : i32
          %add3A_287 = arith.addi %scan3A_219, %add3A_286 : i32
          %get3A = arith.index_cast %add3A_287 : i32 to index
          %get3A_288 = tpu.vector_load %arg8[%get3A] {strides = array<i32>} : memref<16448xi32, #tpu.memory_space<vmem>>, vector<16xi32>,
          %add3A_289 = vector.broadcast %add3A_286 : i32 to vector<16xi32>
          %add3A_290 = arith.addi %add3A_289, %iota3A : vector<16xi32>
          %lt3A_291 = vector.broadcast %scan3A_217 : i32 to vector<16xi32>
          %lt3A_292 = arith.cmpi slt, %add3A_290, %lt3A_291 : vector<16xi32>
          %shift_right_logical3A = vector.broadcast %sub3A_221 : i32 to vector<16xi32>
          %shift_right_logical3A_293 = arith.shrui %get3A_288, %shift_right_logical3A : vector<16xi32>
          %and3A_294 = arith.constant 1 : i32
          %and3A_295 = vector.broadcast %and3A_294 : i32 to vector<16xi32>
          %and3A_296 = arith.andi %shift_right_logical3A_293, %and3A_295 : vector<16xi32>
          %eq3A_297 = arith.constant 1 : i32
          %eq3A_298 = vector.broadcast %eq3A_297 : i32 to vector<16xi32>
          %eq3A_299 = arith.cmpi eq, %and3A_296, %eq3A_298 : vector<16xi32>
          %and3A_300 = arith.andi %lt3A_292, %eq3A_299 : vector<16xi1>
          %not3A = arith.constant dense<true> : vector<16xi1>
          %not3A_301 = arith.xori %and3A_300, %not3A : vector<16xi1>
          %and3A_302 = arith.andi %lt3A_292, %not3A_301 : vector<16xi1>
          %add3A_303 = arith.addi %scan3A_219, %while3A_279 : i32
          %swap3A = arith.index_cast %add3A_303 : i32 to index
          %swap3A_304 = tpu.vector_load %arg8[%swap3A] masked %and3A_302 {strides = array<i32>} : memref<16448xi32, #tpu.memory_space<vmem>>, vector<16xi32>, vector<16xi1>
          tpu.vector_store %arg8[%swap3A], %get3A_288 masked %and3A_302 {strides = array<i32>} : memref<16448xi32, #tpu.memory_space<vmem>>, vector<16xi32>, vector<16xi1>
          %all_reduce_population_count3A = tpu.all_reduce %and3A_302 {dim = 0 : i64, kind = #tpu.reduction_kind<sum>} : vector<16xi1> -> vector<16xi32>
          %slice3A = vector.extract_strided_slice %all_reduce_population_count3A {offsets = [0], sizes = [1], strides = [1]} : vector<16xi32> to vector<1xi32>
          %squeeze3A = vector.extract %slice3A[0] : i32 from vector<1xi32>
          %add3A_305 = arith.addi %while3A_279, %squeeze3A : i32
          %add3A_306 = arith.addi %sub3A_223, %while3A_280 : i32
          %swap3A_307 = arith.index_cast %add3A_306 : i32 to index
          %swap3A_308 = tpu.vector_load %arg8[%swap3A_307] masked %and3A_300 {strides = array<i32>} : memref<16448xi32, #tpu.memory_space<vmem>>, vector<16xi32>, vector<16xi1>
          tpu.vector_store %arg8[%swap3A_307], %get3A_288 masked %and3A_300 {strides = array<i32>} : memref<16448xi32, #tpu.memory_space<vmem>>, vector<16xi32>, vector<16xi1>
          %all_reduce_population_count3A_309 = tpu.all_reduce %and3A_300 {dim = 0 : i64, kind = #tpu.reduction_kind<sum>} : vector<16xi1> -> vector<16xi32>
          %slice3A_310 = vector.extract_strided_slice %all_reduce_population_count3A_309 {offsets = [0], sizes = [1], strides = [1]} : vector<16xi32> to vector<1xi32>
          %squeeze3A_311 = vector.extract %slice3A_310[0] : i32 from vector<1xi32>
          %add3A_312 = arith.addi %while3A_280, %squeeze3A_311 : i32
          %mul3A_313 = arith.constant 2 : i32
          %mul3A_314 = arith.muli %while3A_278, %mul3A_313 : i32
          %mul3A_315 = arith.constant 16 : i32
          %mul3A_316 = arith.muli %mul3A_314, %mul3A_315 : i32
          %add3A_317 = arith.constant 16 : i32
          %add3A_318 = arith.addi %mul3A_316, %add3A_317 : i32
          %add3A_319 = arith.addi %scan3A_219, %add3A_318 : i32
          %get3A_320 = arith.index_cast %add3A_319 : i32 to index
          %get3A_321 = tpu.vector_load %arg8[%get3A_320] {strides = array<i32>} : memref<16448xi32, #tpu.memory_space<vmem>>, vector<16xi32>,
          %add3A_322 = vector.broadcast %add3A_318 : i32 to vector<16xi32>
          %add3A_323 = arith.addi %add3A_322, %iota3A : vector<16xi32>
          %lt3A_324 = vector.broadcast %scan3A_217 : i32 to vector<16xi32>
          %lt3A_325 = arith.cmpi slt, %add3A_323, %lt3A_324 : vector<16xi32>
          %shift_right_logical3A_326 = vector.broadcast %sub3A_221 : i32 to vector<16xi32>
          %shift_right_logical3A_327 = arith.shrui %get3A_321, %shift_right_logical3A_326 : vector<16xi32>
          %and3A_328 = arith.constant 1 : i32
          %and3A_329 = vector.broadcast %and3A_328 : i32 to vector<16xi32>
          %and3A_330 = arith.andi %shift_right_logical3A_327, %and3A_329 : vector<16xi32>
          %eq3A_331 = arith.constant 1 : i32
          %eq3A_332 = vector.broadcast %eq3A_331 : i32 to vector<16xi32>
          %eq3A_333 = arith.cmpi eq, %and3A_330, %eq3A_332 : vector<16xi32>
          %and3A_334 = arith.andi %lt3A_325, %eq3A_333 : vector<16xi1>
          %not3A_335 = arith.constant dense<true> : vector<16xi1>
          %not3A_336 = arith.xori %and3A_334, %not3A_335 : vector<16xi1>
          %and3A_337 = arith.andi %lt3A_325, %not3A_336 : vector<16xi1>
          %add3A_338 = arith.addi %scan3A_219, %add3A_305 : i32
          %swap3A_339 = arith.index_cast %add3A_338 : i32 to index
          %swap3A_340 = tpu.vector_load %arg8[%swap3A_339] masked %and3A_337 {strides = array<i32>} : memref<16448xi32, #tpu.memory_space<vmem>>, vector<16xi32>, vector<16xi1>
          tpu.vector_store %arg8[%swap3A_339], %get3A_321 masked %and3A_337 {strides = array<i32>} : memref<16448xi32, #tpu.memory_space<vmem>>, vector<16xi32>, vector<16xi1>
          %all_reduce_population_count3A_341 = tpu.all_reduce %and3A_337 {dim = 0 : i64, kind = #tpu.reduction_kind<sum>} : vector<16xi1> -> vector<16xi32>
          %slice3A_342 = vector.extract_strided_slice %all_reduce_population_count3A_341 {offsets = [0], sizes = [1], strides = [1]} : vector<16xi32> to vector<1xi32>
          %squeeze3A_343 = vector.extract %slice3A_342[0] : i32 from vector<1xi32>
          %add3A_344 = arith.addi %add3A_305, %squeeze3A_343 : i32
          %add3A_345 = arith.addi %sub3A_223, %add3A_312 : i32
          %swap3A_346 = arith.index_cast %add3A_345 : i32 to index
          %swap3A_347 = tpu.vector_load %arg8[%swap3A_346] masked %and3A_334 {strides = array<i32>} : memref<16448xi32, #tpu.memory_space<vmem>>, vector<16xi32>, vector<16xi1>
          tpu.vector_store %arg8[%swap3A_346], %get3A_321 masked %and3A_334 {strides = array<i32>} : memref<16448xi32, #tpu.memory_space<vmem>>, vector<16xi32>, vector<16xi1>
          %all_reduce_population_count3A_348 = tpu.all_reduce %and3A_334 {dim = 0 : i64, kind = #tpu.reduction_kind<sum>} : vector<16xi1> -> vector<16xi32>
          %slice3A_349 = vector.extract_strided_slice %all_reduce_population_count3A_348 {offsets = [0], sizes = [1], strides = [1]} : vector<16xi32> to vector<1xi32>
          %squeeze3A_350 = vector.extract %slice3A_349[0] : i32 from vector<1xi32>
          %add3A_351 = arith.addi %add3A_312, %squeeze3A_350 : i32
          scf.yield %add3A_344, %add3A_351 : i32, i32
        }
        %add3A_262 = arith.addi %scan3A_216, %while3A_261#1 : i32
        %ge3A = arith.constant 2048 : i32
        %ge3A_263 = arith.cmpi sge, %add3A_262, %ge3A : i32
        %jit3A_264 = arith.constant 1 : i32
        %jit3A_265 = arith.constant 0 : i32
        %select_n3A_266 = arith.select %ge3A_263, %jit3A_264, %jit3A_265 : i32
        %eq3A_267 = arith.constant 1 : i32
        %eq3A_268 = arith.cmpi eq, %select_n3A_266, %eq3A_267 : i32
        %add3A_269 = arith.addi %scan3A_216, %while3A_261#1 : i32
        %select_n3A_270 = arith.select %eq3A_268, %scan3A_216, %add3A_269 : i32
        %eq3A_271 = arith.constant 1 : i32
        %eq3A_272 = arith.cmpi eq, %select_n3A_266, %eq3A_271 : i32
        %select_n3A_273 = arith.select %eq3A_272, %while3A_261#1, %while3A_261#0 : i32
        %shift_left3A_274 = arith.shli %select_n3A_266, %sub3A_221 : i32
        %or3A = arith.ori %scan3A_218, %shift_left3A_274 : i32
        %eq3A_275 = arith.constant 1 : i32
        %eq3A_276 = arith.cmpi eq, %select_n3A_266, %eq3A_275 : i32
        %select_n3A_277 = arith.select %eq3A_276, %sub3A_223, %scan3A_219 : i32
        scf.yield %select_n3A_270, %select_n3A_273, %or3A, %select_n3A_277 : i32, i32, i32, i32
      }
      %scan3A_199 = arith.constant 21 : i32
      %xor3A = arith.constant -2147483648 : i32
      %xor3A_200 = arith.xori %scan3A_198#2, %xor3A : i32
      %sub3A_201 = arith.constant 2048 : i32
      %sub3A_202 = arith.subi %sub3A_201, %scan3A_198#0 : i32
      %scan3A_203 = arith.constant 0 : i32
      %scan3A_204 = arith.constant 0 : i32
      %scan3A_205 = arith.constant 0 : i32
      %scan3A_206 = arith.constant 256 : i32
      %scan3A_207 = arith.addi %scan3A_205, %scan3A_206 : i32
      %scan3A_208 = arith.constant 1 : i32
      %scan3A_209:2 = scf.for %scan3A_215 = %scan3A_205 to %scan3A_207 step %scan3A_208 iter_args(%scan3A_216 = %scan3A_203, %scan3A_217 = %scan3A_204) -> (i32, i32)  : i32 {
        %mul3A_218 = arith.constant 2 : i32
        %mul3A_219 = arith.muli %mul3A_218, %scan3A_215 : i32
        %add3A_220 = arith.constant 0 : i32
        %add3A_221 = arith.addi %mul3A_219, %add3A_220 : i32
        %mul3A_222 = arith.constant 16 : i32
        %mul3A_223 = arith.muli %add3A_221, %mul3A_222 : i32
        %get3A = arith.index_cast %mul3A_223 : i32 to index
        %get3A_224 = tpu.vector_load %arg7[%get3A] {strides = array<i32>} : memref<8192xi32, #tpu.memory_space<vmem>>, vector<16xi32>,
        %shift_right_arithmetic3A = arith.constant 31 : i32
        %shift_right_arithmetic3A_225 = vector.broadcast %shift_right_arithmetic3A : i32 to vector<16xi32>
        %shift_right_arithmetic3A_226 = arith.shrsi %get3A_224, %shift_right_arithmetic3A_225 : vector<16xi32>
        %and3A_227 = arith.constant 2147483647 : i32
        %and3A_228 = vector.broadcast %and3A_227 : i32 to vector<16xi32>
        %and3A_229 = arith.andi %shift_right_arithmetic3A_226, %and3A_228 : vector<16xi32>
        %xor3A_230 = arith.xori %get3A_224, %and3A_229 : vector<16xi32>
        %gt3A = vector.broadcast %xor3A_200 : i32 to vector<16xi32>
        %gt3A_231 = arith.cmpi sgt, %xor3A_230, %gt3A : vector<16xi32>
        %eq3A_232 = vector.broadcast %xor3A_200 : i32 to vector<16xi32>
        %eq3A_233 = arith.cmpi eq, %xor3A_230, %eq3A_232 : vector<16xi32>
        %all_reduce_population_count3A = tpu.all_reduce %eq3A_233 {dim = 0 : i64, kind = #tpu.reduction_kind<sum>} : vector<16xi1> -> vector<16xi32>
        %slice3A = vector.extract_strided_slice %all_reduce_population_count3A {offsets = [0], sizes = [1], strides = [1]} : vector<16xi32> to vector<1xi32>
        %squeeze3A = vector.extract %slice3A[0] : i32 from vector<1xi32>
        %lt3A_234 = arith.cmpi slt, %scan3A_217, %sub3A_202 : i32
        %add3A_235 = arith.addi %scan3A_217, %squeeze3A : i32
        %lt3A_236 = arith.cmpi slt, %sub3A_202, %add3A_235 : i32
        %and3A_237 = arith.andi %lt3A_234, %lt3A_236 : i1
        %convert_element_type3A_238 = arith.extui %and3A_237 : i1 to i32
        %cond3A_239 = arith.constant 0 : i32
        %cond3A_240 = arith.constant 0 : i32
        %cond3A_241 = arith.cmpi ne, %convert_element_type3A_238, %cond3A_240 : i32
        %cond3A_242 = scf.if %cond3A_241 -> (vector<16xi1>) {
          %jit3A_308 = arith.constant 1 : i32
          %jit3A_309 = arith.constant 0 : i32
          %broadcast_in_dim3A_310 = vector.broadcast %jit3A_308 : i32 to vector<16xi32>
          %broadcast_in_dim3A_311 = vector.broadcast %jit3A_309 : i32 to vector<16xi32>
          %select_n3A_312 = arith.select %eq3A_233, %broadcast_in_dim3A_310, %broadcast_in_dim3A_311 : vector<16xi1>, vector<16xi32>
          %broadcast_in_dim3A_313 = arith.constant true
          %broadcast_in_dim3A_314 = vector.broadcast %broadcast_in_dim3A_313 : i1 to vector<16xi1>
          %masked_cumsum3A = tpu.scan <sum>, %select_n3A_312 masked %broadcast_in_dim3A_314 : vector<16xi32>, vector<16xi1> -> vector<16xi32>
          %sub3A_315 = arith.subi %masked_cumsum3A, %select_n3A_312 : vector<16xi32>
          %add3A_316 = vector.broadcast %scan3A_217 : i32 to vector<16xi32>
          %add3A_317 = arith.addi %add3A_316, %sub3A_315 : vector<16xi32>
          %lt3A_318 = vector.broadcast %sub3A_202 : i32 to vector<16xi32>
          %lt3A_319 = arith.cmpi slt, %add3A_317, %lt3A_318 : vector<16xi32>
          %and3A_320 = arith.andi %eq3A_233, %lt3A_319 : vector<16xi1>
          scf.yield %and3A_320 : vector<16xi1>
        } else {
          %lt3A_308 = arith.cmpi slt, %scan3A_217, %sub3A_202 : i32
          %and3A_309 = vector.broadcast %lt3A_308 : i1 to vector<16xi1>
          %and3A_310 = arith.andi %eq3A_233, %and3A_309 : vector<16xi1>
          scf.yield %and3A_310 : vector<16xi1>
        }
        %or3A = arith.ori %gt3A_231, %cond3A_242 : vector<16xi1>
        %mul3A_243 = arith.constant 16 : i32
        %mul3A_244 = arith.muli %add3A_221, %mul3A_243 : i32
        %add3A_245 = vector.broadcast %mul3A_244 : i32 to vector<16xi32>
        %add3A_246 = arith.addi %add3A_245, %iota3A : vector<16xi32>
        %swap3A = arith.index_cast %scan3A_216 : i32 to index
        %swap3A_247 = tpu.vector_load %arg10[%swap3A] masked %or3A {strides = array<i32>} : memref<2064xi32, #tpu.memory_space<vmem>>, vector<16xi32>, vector<16xi1>
        tpu.vector_store %arg10[%swap3A], %add3A_246 masked %or3A {strides = array<i32>} : memref<2064xi32, #tpu.memory_space<vmem>>, vector<16xi32>, vector<16xi1>
        %mul3A_248 = arith.constant 16 : i32
        %mul3A_249 = arith.muli %add3A_221, %mul3A_248 : i32
        %get3A_250 = arith.index_cast %mul3A_249 : i32 to index
        %get3A_251 = tpu.vector_load %arg7[%get3A_250] {strides = array<i32>} : memref<8192xi32, #tpu.memory_space<vmem>>, vector<16xi32>,
        %swap3A_252 = arith.index_cast %scan3A_216 : i32 to index
        %swap3A_253 = tpu.vector_load %arg11[%swap3A_252] masked %or3A {strides = array<i32>} : memref<2064xi32, #tpu.memory_space<vmem>>, vector<16xi32>, vector<16xi1>
        tpu.vector_store %arg11[%swap3A_252], %get3A_251 masked %or3A {strides = array<i32>} : memref<2064xi32, #tpu.memory_space<vmem>>, vector<16xi32>, vector<16xi1>
        %all_reduce_population_count3A_254 = tpu.all_reduce %or3A {dim = 0 : i64, kind = #tpu.reduction_kind<sum>} : vector<16xi1> -> vector<16xi32>
        %slice3A_255 = vector.extract_strided_slice %all_reduce_population_count3A_254 {offsets = [0], sizes = [1], strides = [1]} : vector<16xi32> to vector<1xi32>
        %squeeze3A_256 = vector.extract %slice3A_255[0] : i32 from vector<1xi32>
        %add3A_257 = arith.addi %scan3A_216, %squeeze3A_256 : i32
        %add3A_258 = arith.addi %scan3A_217, %squeeze3A : i32
        %mul3A_259 = arith.constant 2 : i32
        %mul3A_260 = arith.muli %mul3A_259, %scan3A_215 : i32
        %add3A_261 = arith.constant 1 : i32
        %add3A_262 = arith.addi %mul3A_260, %add3A_261 : i32
        %mul3A_263 = arith.constant 16 : i32
        %mul3A_264 = arith.muli %add3A_262, %mul3A_263 : i32
        %get3A_265 = arith.index_cast %mul3A_264 : i32 to index
        %get3A_266 = tpu.vector_load %arg7[%get3A_265] {strides = array<i32>} : memref<8192xi32, #tpu.memory_space<vmem>>, vector<16xi32>,
        %shift_right_arithmetic3A_267 = arith.constant 31 : i32
        %shift_right_arithmetic3A_268 = vector.broadcast %shift_right_arithmetic3A_267 : i32 to vector<16xi32>
        %shift_right_arithmetic3A_269 = arith.shrsi %get3A_266, %shift_right_arithmetic3A_268 : vector<16xi32>
        %and3A_270 = arith.constant 2147483647 : i32
        %and3A_271 = vector.broadcast %and3A_270 : i32 to vector<16xi32>
        %and3A_272 = arith.andi %shift_right_arithmetic3A_269, %and3A_271 : vector<16xi32>
        %xor3A_273 = arith.xori %get3A_266, %and3A_272 : vector<16xi32>
        %gt3A_274 = vector.broadcast %xor3A_200 : i32 to vector<16xi32>
        %gt3A_275 = arith.cmpi sgt, %xor3A_273, %gt3A_274 : vector<16xi32>
        %eq3A_276 = vector.broadcast %xor3A_200 : i32 to vector<16xi32>
        %eq3A_277 = arith.cmpi eq, %xor3A_273, %eq3A_276 : vector<16xi32>
        %all_reduce_population_count3A_278 = tpu.all_reduce %eq3A_277 {dim = 0 : i64, kind = #tpu.reduction_kind<sum>} : vector<16xi1> -> vector<16xi32>
        %slice3A_279 = vector.extract_strided_slice %all_reduce_population_count3A_278 {offsets = [0], sizes = [1], strides = [1]} : vector<16xi32> to vector<1xi32>
        %squeeze3A_280 = vector.extract %slice3A_279[0] : i32 from vector<1xi32>
        %lt3A_281 = arith.cmpi slt, %add3A_258, %sub3A_202 : i32
        %add3A_282 = arith.addi %add3A_258, %squeeze3A_280 : i32
        %lt3A_283 = arith.cmpi slt, %sub3A_202, %add3A_282 : i32
        %and3A_284 = arith.andi %lt3A_281, %lt3A_283 : i1
        %convert_element_type3A_285 = arith.extui %and3A_284 : i1 to i32
        %cond3A_286 = arith.constant 0 : i32
        %cond3A_287 = arith.constant 0 : i32
        %cond3A_288 = arith.cmpi ne, %convert_element_type3A_285, %cond3A_287 : i32
        %cond3A_289 = scf.if %cond3A_288 -> (vector<16xi1>) {
          %jit3A_308 = arith.constant 1 : i32
          %jit3A_309 = arith.constant 0 : i32
          %broadcast_in_dim3A_310 = vector.broadcast %jit3A_308 : i32 to vector<16xi32>
          %broadcast_in_dim3A_311 = vector.broadcast %jit3A_309 : i32 to vector<16xi32>
          %select_n3A_312 = arith.select %eq3A_277, %broadcast_in_dim3A_310, %broadcast_in_dim3A_311 : vector<16xi1>, vector<16xi32>
          %broadcast_in_dim3A_313 = arith.constant true
          %broadcast_in_dim3A_314 = vector.broadcast %broadcast_in_dim3A_313 : i1 to vector<16xi1>
          %masked_cumsum3A = tpu.scan <sum>, %select_n3A_312 masked %broadcast_in_dim3A_314 : vector<16xi32>, vector<16xi1> -> vector<16xi32>
          %sub3A_315 = arith.subi %masked_cumsum3A, %select_n3A_312 : vector<16xi32>
          %add3A_316 = vector.broadcast %add3A_258 : i32 to vector<16xi32>
          %add3A_317 = arith.addi %add3A_316, %sub3A_315 : vector<16xi32>
          %lt3A_318 = vector.broadcast %sub3A_202 : i32 to vector<16xi32>
          %lt3A_319 = arith.cmpi slt, %add3A_317, %lt3A_318 : vector<16xi32>
          %and3A_320 = arith.andi %eq3A_277, %lt3A_319 : vector<16xi1>
          scf.yield %and3A_320 : vector<16xi1>
        } else {
          %lt3A_308 = arith.cmpi slt, %add3A_258, %sub3A_202 : i32
          %and3A_309 = vector.broadcast %lt3A_308 : i1 to vector<16xi1>
          %and3A_310 = arith.andi %eq3A_277, %and3A_309 : vector<16xi1>
          scf.yield %and3A_310 : vector<16xi1>
        }
        %or3A_290 = arith.ori %gt3A_275, %cond3A_289 : vector<16xi1>
        %mul3A_291 = arith.constant 16 : i32
        %mul3A_292 = arith.muli %add3A_262, %mul3A_291 : i32
        %add3A_293 = vector.broadcast %mul3A_292 : i32 to vector<16xi32>
        %add3A_294 = arith.addi %add3A_293, %iota3A : vector<16xi32>
        %swap3A_295 = arith.index_cast %add3A_257 : i32 to index
        %swap3A_296 = tpu.vector_load %arg10[%swap3A_295] masked %or3A_290 {strides = array<i32>} : memref<2064xi32, #tpu.memory_space<vmem>>, vector<16xi32>, vector<16xi1>
        tpu.vector_store %arg10[%swap3A_295], %add3A_294 masked %or3A_290 {strides = array<i32>} : memref<2064xi32, #tpu.memory_space<vmem>>, vector<16xi32>, vector<16xi1>
        %mul3A_297 = arith.constant 16 : i32
        %mul3A_298 = arith.muli %add3A_262, %mul3A_297 : i32
        %get3A_299 = arith.index_cast %mul3A_298 : i32 to index
        %get3A_300 = tpu.vector_load %arg7[%get3A_299] {strides = array<i32>} : memref<8192xi32, #tpu.memory_space<vmem>>, vector<16xi32>,
        %swap3A_301 = arith.index_cast %add3A_257 : i32 to index
        %swap3A_302 = tpu.vector_load %arg11[%swap3A_301] masked %or3A_290 {strides = array<i32>} : memref<2064xi32, #tpu.memory_space<vmem>>, vector<16xi32>, vector<16xi1>
        tpu.vector_store %arg11[%swap3A_301], %get3A_300 masked %or3A_290 {strides = array<i32>} : memref<2064xi32, #tpu.memory_space<vmem>>, vector<16xi32>, vector<16xi1>
        %all_reduce_population_count3A_303 = tpu.all_reduce %or3A_290 {dim = 0 : i64, kind = #tpu.reduction_kind<sum>} : vector<16xi1> -> vector<16xi32>
        %slice3A_304 = vector.extract_strided_slice %all_reduce_population_count3A_303 {offsets = [0], sizes = [1], strides = [1]} : vector<16xi32> to vector<1xi32>
        %squeeze3A_305 = vector.extract %slice3A_304[0] : i32 from vector<1xi32>
        %add3A_306 = arith.addi %add3A_257, %squeeze3A_305 : i32
        %add3A_307 = arith.addi %add3A_258, %squeeze3A_280 : i32
        scf.yield %add3A_306, %add3A_307 : i32, i32
      }
      %scan3A_210 = arith.constant 256 : i32
      %mul3A_211 = arith.constant 2048 : i32
      %mul3A_212 = arith.muli %add3A_139, %mul3A_211 : i32
      "tpu.region"() ({
        %run_scoped3A = tpu.sem_alloc : memref<!tpu.dma_semaphore, #tpu.memory_space<semaphore_mem>>
        %dma_start3A_215 = arith.constant 0 : i32
        %dma_start3A_216 = tpu.memref_slice %arg10[%dma_start3A_215] : memref<2064xi32, #tpu.memory_space<vmem>> -> memref<2048xi32, #tpu.memory_space<vmem>>
        %dma_start3A_217 = tpu.memref_slice %arg5[%mul3A_212] : memref<16384xi32, #tpu.memory_space<hbm>> -> memref<2048xi32, #tpu.memory_space<hbm>>
        %dma_start3A_218 = tpu.memref_slice %arg5[%mul3A_212] : memref<16384xi32, #tpu.memory_space<hbm>> -> memref<2048xi32, #tpu.memory_space<hbm>>
        %dma_start3A_219 = arith.constant 0 : i32
        %dma_start3A_220 = tpu.memref_slice %arg10[%dma_start3A_219] : memref<2064xi32, #tpu.memory_space<vmem>> -> memref<2048xi32, #tpu.memory_space<vmem>>
        tpu.enqueue_dma source(%dma_start3A_220 : memref<2048xi32, #tpu.memory_space<vmem>>) target(%dma_start3A_218 : memref<2048xi32, #tpu.memory_space<hbm>>) target_semaphore(%run_scoped3A : memref<!tpu.dma_semaphore, #tpu.memory_space<semaphore_mem>>)
        %dma_wait3A_221 = arith.constant 0 : i32
        %dma_wait3A_222 = tpu.memref_slice %arg10[%dma_wait3A_221] : memref<2064xi32, #tpu.memory_space<vmem>> -> memref<2048xi32, #tpu.memory_space<vmem>>
        %dma_wait3A_223 = tpu.memref_slice %arg5[%mul3A_212] : memref<16384xi32, #tpu.memory_space<hbm>> -> memref<2048xi32, #tpu.memory_space<hbm>>
        %dma_wait3A_224 = tpu.memref_slice %arg5[%mul3A_212] : memref<16384xi32, #tpu.memory_space<hbm>> -> memref<2048xi32, #tpu.memory_space<hbm>>
        %dma_wait3A_225 = arith.constant 0 : i32
        %dma_wait3A_226 = tpu.memref_slice %arg10[%dma_wait3A_225] : memref<2064xi32, #tpu.memory_space<vmem>> -> memref<2048xi32, #tpu.memory_space<vmem>>
        tpu.wait_dma2 semaphore(%run_scoped3A : memref<!tpu.dma_semaphore, #tpu.memory_space<semaphore_mem>>) src(%dma_wait3A_226 : memref<2048xi32, #tpu.memory_space<vmem>>) dst(%dma_wait3A_224 : memref<2048xi32, #tpu.memory_space<hbm>>)
        tpu.yield
      }) : () -> ()
      %mul3A_213 = arith.constant 2048 : i32
      %mul3A_214 = arith.muli %add3A_139, %mul3A_213 : i32
      "tpu.region"() ({
        %run_scoped3A = tpu.sem_alloc : memref<!tpu.dma_semaphore, #tpu.memory_space<semaphore_mem>>
        %dma_start3A_215 = arith.constant 0 : i32
        %dma_start3A_216 = tpu.memref_slice %arg11[%dma_start3A_215] : memref<2064xi32, #tpu.memory_space<vmem>> -> memref<2048xi32, #tpu.memory_space<vmem>>
        %dma_start3A_217 = tpu.memref_slice %arg6[%mul3A_214] : memref<16384xi32, #tpu.memory_space<hbm>> -> memref<2048xi32, #tpu.memory_space<hbm>>
        %dma_start3A_218 = tpu.memref_slice %arg6[%mul3A_214] : memref<16384xi32, #tpu.memory_space<hbm>> -> memref<2048xi32, #tpu.memory_space<hbm>>
        %dma_start3A_219 = arith.constant 0 : i32
        %dma_start3A_220 = tpu.memref_slice %arg11[%dma_start3A_219] : memref<2064xi32, #tpu.memory_space<vmem>> -> memref<2048xi32, #tpu.memory_space<vmem>>
        tpu.enqueue_dma source(%dma_start3A_220 : memref<2048xi32, #tpu.memory_space<vmem>>) target(%dma_start3A_218 : memref<2048xi32, #tpu.memory_space<hbm>>) target_semaphore(%run_scoped3A : memref<!tpu.dma_semaphore, #tpu.memory_space<semaphore_mem>>)
        %dma_wait3A_221 = arith.constant 0 : i32
        %dma_wait3A_222 = tpu.memref_slice %arg11[%dma_wait3A_221] : memref<2064xi32, #tpu.memory_space<vmem>> -> memref<2048xi32, #tpu.memory_space<vmem>>
        %dma_wait3A_223 = tpu.memref_slice %arg6[%mul3A_214] : memref<16384xi32, #tpu.memory_space<hbm>> -> memref<2048xi32, #tpu.memory_space<hbm>>
        %dma_wait3A_224 = tpu.memref_slice %arg6[%mul3A_214] : memref<16384xi32, #tpu.memory_space<hbm>> -> memref<2048xi32, #tpu.memory_space<hbm>>
        %dma_wait3A_225 = arith.constant 0 : i32
        %dma_wait3A_226 = tpu.memref_slice %arg11[%dma_wait3A_225] : memref<2064xi32, #tpu.memory_space<vmem>> -> memref<2048xi32, #tpu.memory_space<vmem>>
        tpu.wait_dma2 semaphore(%run_scoped3A : memref<!tpu.dma_semaphore, #tpu.memory_space<semaphore_mem>>) src(%dma_wait3A_226 : memref<2048xi32, #tpu.memory_space<vmem>>) dst(%dma_wait3A_224 : memref<2048xi32, #tpu.memory_space<hbm>>)
        tpu.yield
      }) : () -> ()
    } else {
    }
    %barrier3A = arith.constant 0 : index
    tpu.barrier barrier_id(%barrier3A)
    %mul3A = arith.constant 4 : i32
    %mul3A_2 = arith.muli %arg0, %mul3A : i32
    %jit3A = arith.constant 4 : i32
    %div3A = arith.divsi %arg1, %jit3A : i32
    %sign3A = arith.constant 0 : i32
    %sign3A_3 = arith.cmpi sgt, %arg1, %sign3A : i32
    %sign3A_4 = arith.extui %sign3A_3 : i1 to i32
    %sign3A_5 = arith.constant 0 : i32
    %sign3A_6 = arith.cmpi slt, %arg1, %sign3A_5 : i32
    %sign3A_7 = arith.extui %sign3A_6 : i1 to i32
    %sign3A_8 = arith.subi %sign3A_4, %sign3A_7 : i32
    %sign3A_9 = arith.constant 0 : i32
    %sign3A_10 = arith.cmpi sgt, %jit3A, %sign3A_9 : i32
    %sign3A_11 = arith.extui %sign3A_10 : i1 to i32
    %sign3A_12 = arith.constant 0 : i32
    %sign3A_13 = arith.cmpi slt, %jit3A, %sign3A_12 : i32
    %sign3A_14 = arith.extui %sign3A_13 : i1 to i32
    %sign3A_15 = arith.subi %sign3A_11, %sign3A_14 : i32
    %ne3A = arith.cmpi ne, %sign3A_8, %sign3A_15 : i32
    %rem3A = arith.remsi %arg1, %jit3A : i32
    %ne3A_16 = arith.constant 0 : i32
    %ne3A_17 = arith.cmpi ne, %rem3A, %ne3A_16 : i32
    %and3A = arith.andi %ne3A, %ne3A_17 : i1
    %sub3A = arith.constant 1 : i32
    %sub3A_18 = arith.subi %div3A, %sub3A : i32
    %select_n3A = arith.select %and3A, %sub3A_18, %div3A : i32
    %add3A = arith.addi %mul3A_2, %select_n3A : i32
    %mul3A_19 = arith.constant 2048 : i32
    %mul3A_20 = arith.muli %add3A, %mul3A_19 : i32
    %jit3A_21 = arith.constant 4 : i32
    %eq3A = arith.constant 0 : i32
    %eq3A_22 = arith.cmpi eq, %jit3A_21, %eq3A : i32
    %jit3A_23 = arith.constant 1 : i32
    %select_n3A_24 = arith.select %eq3A_22, %jit3A_23, %jit3A_21 : i32
    %rem3A_25 = arith.remsi %arg1, %select_n3A_24 : i32
    %ne3A_26 = arith.constant 0 : i32
    %ne3A_27 = arith.cmpi ne, %rem3A_25, %ne3A_26 : i32
    %lt3A_28 = arith.constant 0 : i32
    %lt3A_29 = arith.cmpi slt, %rem3A_25, %lt3A_28 : i32
    %lt3A_30 = arith.constant 0 : i32
    %lt3A_31 = arith.cmpi slt, %select_n3A_24, %lt3A_30 : i32
    %ne3A_32 = arith.xori %lt3A_29, %lt3A_31 : i1
    %and3A_33 = arith.andi %ne3A_32, %ne3A_27 : i1
    %add3A_34 = arith.addi %rem3A_25, %select_n3A_24 : i32
    %select_n3A_35 = arith.select %and3A_33, %add3A_34, %rem3A_25 : i32
    %mul3A_36 = arith.constant 512 : i32
    %mul3A_37 = arith.muli %select_n3A_35, %mul3A_36 : i32
    %add3A_38 = arith.addi %mul3A_20, %mul3A_37 : i32
    "tpu.region"() ({
      %run_scoped3A = tpu.sem_alloc : memref<!tpu.dma_semaphore, #tpu.memory_space<semaphore_mem>>
      %dma_start3A_137 = tpu.memref_slice %arg5[%add3A_38] : memref<16384xi32, #tpu.memory_space<hbm>> -> memref<512xi32, #tpu.memory_space<hbm>>
      %dma_start3A_138 = tpu.memref_slice %arg5[%add3A_38] : memref<16384xi32, #tpu.memory_space<hbm>> -> memref<512xi32, #tpu.memory_space<hbm>>
      tpu.enqueue_dma source(%dma_start3A_138 : memref<512xi32, #tpu.memory_space<hbm>>) target(%arg12 : memref<512xi32, #tpu.memory_space<vmem>>) target_semaphore(%run_scoped3A : memref<!tpu.dma_semaphore, #tpu.memory_space<semaphore_mem>>)
      %dma_wait3A_139 = tpu.memref_slice %arg5[%add3A_38] : memref<16384xi32, #tpu.memory_space<hbm>> -> memref<512xi32, #tpu.memory_space<hbm>>
      %dma_wait3A_140 = tpu.memref_slice %arg5[%add3A_38] : memref<16384xi32, #tpu.memory_space<hbm>> -> memref<512xi32, #tpu.memory_space<hbm>>
      tpu.wait_dma2 semaphore(%run_scoped3A : memref<!tpu.dma_semaphore, #tpu.memory_space<semaphore_mem>>) src(%dma_wait3A_140 : memref<512xi32, #tpu.memory_space<hbm>>) dst(%arg12 : memref<512xi32, #tpu.memory_space<vmem>>)
      tpu.yield
    }) : () -> ()
    %scan3A = arith.constant 0 : i32
    %scan3A_39 = arith.constant 0 : i32
    %scan3A_40 = arith.constant 32 : i32
    %scan3A_41 = arith.addi %scan3A_39, %scan3A_40 : i32
    %scan3A_42 = arith.constant 1 : i32
    %scan3A_43 = scf.for %scan3A_137 = %scan3A_39 to %scan3A_41 step %scan3A_42 iter_args(%scan3A_138 = %scan3A) -> (i32)  : i32 {
      %mul3A_139 = arith.constant 16 : i32
      %mul3A_140 = arith.muli %scan3A_137, %mul3A_139 : i32
      %get3A = arith.index_cast %mul3A_140 : i32 to index
      %get3A_141 = tpu.vector_load %arg12[%get3A] {strides = array<i32>} : memref<512xi32, #tpu.memory_space<vmem>>, vector<16xi32>,
      %mul3A_142 = arith.constant 8192 : i32
      %mul3A_143 = arith.muli %add3A, %mul3A_142 : i32
      %add3A_144 = vector.broadcast %mul3A_143 : i32 to vector<16xi32>
      %add3A_145 = arith.addi %get3A_141, %add3A_144 : vector<16xi32>
      %mul3A_146 = arith.constant 16 : i32
      %mul3A_147 = arith.muli %scan3A_137, %mul3A_146 : i32
      %swap3A = arith.index_cast %mul3A_147 : i32 to index
      %swap3A_148 = tpu.vector_load %arg12[%swap3A] {strides = array<i32>} : memref<512xi32, #tpu.memory_space<vmem>>, vector<16xi32>,
      tpu.vector_store %arg12[%swap3A], %add3A_145 {strides = array<i32>} : memref<512xi32, #tpu.memory_space<vmem>>, vector<16xi32>,
      %scan3A_149 = arith.constant 0 : i32
      scf.yield %scan3A_149 : i32
    }
    %scan3A_44 = arith.constant 32 : i32
    %dma_start3A = arith.constant 0 : i32
    %dma_start3A_45 = arith.constant 0 : i32
    %dma_start3A_46 = arith.constant 0 : i32
    %dma_start3A_47 = arith.constant 0 : i32
    %dma_start3A_48 = tpu.memref_slice %arg13[%dma_start3A, %dma_start3A_46, %dma_start3A_47] : memref<6x16x1024xf32, #tpu.memory_space<vmem>> -> memref<1x16x1024xf32, #tpu.memory_space<vmem>>
    %dma_start3A_49 = tpu.memref_squeeze %dma_start3A_48 : memref<1x16x1024xf32, #tpu.memory_space<vmem>> -> memref<16x1024xf32, #tpu.memory_space<vmem>>
    %dma_start3A_50 = arith.constant 0 : i32
    %dma_start3A_51 = tpu.memref_slice %arg12[%dma_start3A_50] : memref<512xi32, #tpu.memory_space<vmem>> -> memref<16xi32, #tpu.memory_space<vmem>>
    %dma_start3A_52 = arith.constant 0 : i32
    %dma_start3A_53 = arith.constant 0 : i32
    %dma_start3A_54 = tpu.memref_slice %arg2[%dma_start3A_52, %dma_start3A_53] : memref<65536x1024xf32, #tpu.memory_space<hbm>> -> memref<65536x1024xf32, #tpu.memory_space<hbm>>
    %dma_start3A_55 = tpu.memref_slice %arg14[%dma_start3A_45] : memref<6x!tpu.dma_semaphore, #tpu.memory_space<semaphore_mem>> -> memref<1x!tpu.dma_semaphore, #tpu.memory_space<semaphore_mem>>
    %dma_start3A_56 = tpu.memref_squeeze %dma_start3A_55 : memref<1x!tpu.dma_semaphore, #tpu.memory_space<semaphore_mem>> -> memref<!tpu.dma_semaphore, #tpu.memory_space<semaphore_mem>>
    tpu.enqueue_indirect_dma source(%dma_start3A_54 : memref<65536x1024xf32, #tpu.memory_space<hbm>>) target(%dma_start3A_49 : memref<16x1024xf32, #tpu.memory_space<vmem>>) offsets(%dma_start3A_51 : memref<16xi32, #tpu.memory_space<vmem>>) semaphore(%dma_start3A_56 : memref<!tpu.dma_semaphore, #tpu.memory_space<semaphore_mem>>)
    %dma_start3A_57 = arith.constant 1 : i32
    %dma_start3A_58 = arith.constant 1 : i32
    %dma_start3A_59 = arith.constant 0 : i32
    %dma_start3A_60 = arith.constant 0 : i32
    %dma_start3A_61 = tpu.memref_slice %arg13[%dma_start3A_57, %dma_start3A_59, %dma_start3A_60] : memref<6x16x1024xf32, #tpu.memory_space<vmem>> -> memref<1x16x1024xf32, #tpu.memory_space<vmem>>
    %dma_start3A_62 = tpu.memref_squeeze %dma_start3A_61 : memref<1x16x1024xf32, #tpu.memory_space<vmem>> -> memref<16x1024xf32, #tpu.memory_space<vmem>>
    %dma_start3A_63 = arith.constant 16 : i32
    %dma_start3A_64 = tpu.memref_slice %arg12[%dma_start3A_63] : memref<512xi32, #tpu.memory_space<vmem>> -> memref<16xi32, #tpu.memory_space<vmem>>
    %dma_start3A_65 = arith.constant 0 : i32
    %dma_start3A_66 = arith.constant 0 : i32
    %dma_start3A_67 = tpu.memref_slice %arg2[%dma_start3A_65, %dma_start3A_66] : memref<65536x1024xf32, #tpu.memory_space<hbm>> -> memref<65536x1024xf32, #tpu.memory_space<hbm>>
    %dma_start3A_68 = tpu.memref_slice %arg14[%dma_start3A_58] : memref<6x!tpu.dma_semaphore, #tpu.memory_space<semaphore_mem>> -> memref<1x!tpu.dma_semaphore, #tpu.memory_space<semaphore_mem>>
    %dma_start3A_69 = tpu.memref_squeeze %dma_start3A_68 : memref<1x!tpu.dma_semaphore, #tpu.memory_space<semaphore_mem>> -> memref<!tpu.dma_semaphore, #tpu.memory_space<semaphore_mem>>
    tpu.enqueue_indirect_dma source(%dma_start3A_67 : memref<65536x1024xf32, #tpu.memory_space<hbm>>) target(%dma_start3A_62 : memref<16x1024xf32, #tpu.memory_space<vmem>>) offsets(%dma_start3A_64 : memref<16xi32, #tpu.memory_space<vmem>>) semaphore(%dma_start3A_69 : memref<!tpu.dma_semaphore, #tpu.memory_space<semaphore_mem>>)
    %dma_start3A_70 = arith.constant 2 : i32
    %dma_start3A_71 = arith.constant 2 : i32
    %dma_start3A_72 = arith.constant 0 : i32
    %dma_start3A_73 = arith.constant 0 : i32
    %dma_start3A_74 = tpu.memref_slice %arg13[%dma_start3A_70, %dma_start3A_72, %dma_start3A_73] : memref<6x16x1024xf32, #tpu.memory_space<vmem>> -> memref<1x16x1024xf32, #tpu.memory_space<vmem>>
    %dma_start3A_75 = tpu.memref_squeeze %dma_start3A_74 : memref<1x16x1024xf32, #tpu.memory_space<vmem>> -> memref<16x1024xf32, #tpu.memory_space<vmem>>
    %dma_start3A_76 = arith.constant 32 : i32
    %dma_start3A_77 = tpu.memref_slice %arg12[%dma_start3A_76] : memref<512xi32, #tpu.memory_space<vmem>> -> memref<16xi32, #tpu.memory_space<vmem>>
    %dma_start3A_78 = arith.constant 0 : i32
    %dma_start3A_79 = arith.constant 0 : i32
    %dma_start3A_80 = tpu.memref_slice %arg2[%dma_start3A_78, %dma_start3A_79] : memref<65536x1024xf32, #tpu.memory_space<hbm>> -> memref<65536x1024xf32, #tpu.memory_space<hbm>>
    %dma_start3A_81 = tpu.memref_slice %arg14[%dma_start3A_71] : memref<6x!tpu.dma_semaphore, #tpu.memory_space<semaphore_mem>> -> memref<1x!tpu.dma_semaphore, #tpu.memory_space<semaphore_mem>>
    %dma_start3A_82 = tpu.memref_squeeze %dma_start3A_81 : memref<1x!tpu.dma_semaphore, #tpu.memory_space<semaphore_mem>> -> memref<!tpu.dma_semaphore, #tpu.memory_space<semaphore_mem>>
    tpu.enqueue_indirect_dma source(%dma_start3A_80 : memref<65536x1024xf32, #tpu.memory_space<hbm>>) target(%dma_start3A_75 : memref<16x1024xf32, #tpu.memory_space<vmem>>) offsets(%dma_start3A_77 : memref<16xi32, #tpu.memory_space<vmem>>) semaphore(%dma_start3A_82 : memref<!tpu.dma_semaphore, #tpu.memory_space<semaphore_mem>>)
    %scan3A_83 = arith.constant 0 : i32
    %scan3A_84 = arith.constant 0 : i32
    %scan3A_85 = arith.constant 6 : i32
    %scan3A_86 = arith.addi %scan3A_84, %scan3A_85 : i32
    %scan3A_87 = arith.constant 1 : i32
    %scan3A_88 = scf.for %scan3A_137 = %scan3A_84 to %scan3A_86 step %scan3A_87 iter_args(%scan3A_138 = %scan3A_83) -> (i32)  : i32 {
      %mul3A_139 = arith.constant 6 : i32
      %mul3A_140 = arith.muli %scan3A_137, %mul3A_139 : i32
      %add3A_141 = arith.constant 0 : i32
      %add3A_142 = arith.addi %mul3A_140, %add3A_141 : i32
      %ge3A = arith.constant 3 : i32
      %ge3A_143 = arith.cmpi sge, %add3A_142, %ge3A : i32
      %lt3A_144 = arith.constant 32 : i32
      %lt3A_145 = arith.cmpi slt, %add3A_142, %lt3A_144 : i32
      %and3A_146 = arith.andi %ge3A_143, %lt3A_145 : i1
      %convert_element_type3A_147 = arith.extui %and3A_146 : i1 to i32
      %cond3A_148 = arith.constant 0 : i32
      %cond3A_149 = arith.cmpi ne, %convert_element_type3A_147, %cond3A_148 : i32
      scf.if %cond3A_149 {
        %dma_wait3A_283 = arith.constant 3 : i32
        %dma_wait3A_284 = arith.constant 3 : i32
        %dma_wait3A_285 = arith.constant 0 : i32
        %dma_wait3A_286 = arith.constant 0 : i32
        %dma_wait3A_287 = tpu.memref_slice %arg13[%dma_wait3A_283, %dma_wait3A_285, %dma_wait3A_286] : memref<6x16x1024xf32, #tpu.memory_space<vmem>> -> memref<1x16x1024xf32, #tpu.memory_space<vmem>>
        %dma_wait3A_288 = tpu.memref_squeeze %dma_wait3A_287 : memref<1x16x1024xf32, #tpu.memory_space<vmem>> -> memref<16x1024xf32, #tpu.memory_space<vmem>>
        %dma_wait3A_289 = arith.constant 0 : i32
        %dma_wait3A_290 = tpu.memref_slice %arg4[%add3A_38, %dma_wait3A_289] : memref<16384x1024xf32, #tpu.memory_space<hbm>> -> memref<16x1024xf32, #tpu.memory_space<hbm>>
        %dma_wait3A_291 = tpu.memref_slice %arg15[%dma_wait3A_284] : memref<6x!tpu.dma_semaphore, #tpu.memory_space<semaphore_mem>> -> memref<1x!tpu.dma_semaphore, #tpu.memory_space<semaphore_mem>>
        %dma_wait3A_292 = tpu.memref_squeeze %dma_wait3A_291 : memref<1x!tpu.dma_semaphore, #tpu.memory_space<semaphore_mem>> -> memref<!tpu.dma_semaphore, #tpu.memory_space<semaphore_mem>>
        %dma_wait3A_293 = arith.constant 0 : i32
        %dma_wait3A_294 = tpu.memref_slice %arg4[%add3A_38, %dma_wait3A_293] : memref<16384x1024xf32, #tpu.memory_space<hbm>> -> memref<16x1024xf32, #tpu.memory_space<hbm>>
        %dma_wait3A_295 = arith.constant 0 : i32
        %dma_wait3A_296 = arith.constant 0 : i32
        %dma_wait3A_297 = tpu.memref_slice %arg13[%dma_wait3A_283, %dma_wait3A_295, %dma_wait3A_296] : memref<6x16x1024xf32, #tpu.memory_space<vmem>> -> memref<1x16x1024xf32, #tpu.memory_space<vmem>>
        %dma_wait3A_298 = tpu.memref_squeeze %dma_wait3A_297 : memref<1x16x1024xf32, #tpu.memory_space<vmem>> -> memref<16x1024xf32, #tpu.memory_space<vmem>>
        tpu.wait_dma2 semaphore(%dma_wait3A_292 : memref<!tpu.dma_semaphore, #tpu.memory_space<semaphore_mem>>) src(%dma_wait3A_298 : memref<16x1024xf32, #tpu.memory_space<vmem>>) dst(%dma_wait3A_294 : memref<16x1024xf32, #tpu.memory_space<hbm>>)
      } else {
      }
      %add3A_150 = arith.constant 3 : i32
      %add3A_151 = arith.addi %add3A_142, %add3A_150 : i32
      %lt3A_152 = arith.constant 32 : i32
      %lt3A_153 = arith.cmpi slt, %add3A_151, %lt3A_152 : i32
      %convert_element_type3A_154 = arith.extui %lt3A_153 : i1 to i32
      %cond3A_155 = arith.constant 0 : i32
      %cond3A_156 = arith.cmpi ne, %convert_element_type3A_154, %cond3A_155 : i32
      scf.if %cond3A_156 {
        %add3A_283 = arith.constant 3 : i32
        %add3A_284 = arith.addi %add3A_142, %add3A_283 : i32
        %mul3A_285 = arith.constant 16 : i32
        %mul3A_286 = arith.muli %add3A_284, %mul3A_285 : i32
        %dma_start3A_287 = arith.constant 3 : i32
        %dma_start3A_288 = arith.constant 3 : i32
        %dma_start3A_289 = arith.constant 0 : i32
        %dma_start3A_290 = arith.constant 0 : i32
        %dma_start3A_291 = tpu.memref_slice %arg13[%dma_start3A_287, %dma_start3A_289, %dma_start3A_290] : memref<6x16x1024xf32, #tpu.memory_space<vmem>> -> memref<1x16x1024xf32, #tpu.memory_space<vmem>>
        %dma_start3A_292 = tpu.memref_squeeze %dma_start3A_291 : memref<1x16x1024xf32, #tpu.memory_space<vmem>> -> memref<16x1024xf32, #tpu.memory_space<vmem>>
        %dma_start3A_293 = tpu.memref_slice %arg12[%mul3A_286] : memref<512xi32, #tpu.memory_space<vmem>> -> memref<16xi32, #tpu.memory_space<vmem>>
        %dma_start3A_294 = arith.constant 0 : i32
        %dma_start3A_295 = arith.constant 0 : i32
        %dma_start3A_296 = tpu.memref_slice %arg2[%dma_start3A_294, %dma_start3A_295] : memref<65536x1024xf32, #tpu.memory_space<hbm>> -> memref<65536x1024xf32, #tpu.memory_space<hbm>>
        %dma_start3A_297 = tpu.memref_slice %arg14[%dma_start3A_288] : memref<6x!tpu.dma_semaphore, #tpu.memory_space<semaphore_mem>> -> memref<1x!tpu.dma_semaphore, #tpu.memory_space<semaphore_mem>>
        %dma_start3A_298 = tpu.memref_squeeze %dma_start3A_297 : memref<1x!tpu.dma_semaphore, #tpu.memory_space<semaphore_mem>> -> memref<!tpu.dma_semaphore, #tpu.memory_space<semaphore_mem>>
        tpu.enqueue_indirect_dma source(%dma_start3A_296 : memref<65536x1024xf32, #tpu.memory_space<hbm>>) target(%dma_start3A_292 : memref<16x1024xf32, #tpu.memory_space<vmem>>) offsets(%dma_start3A_293 : memref<16xi32, #tpu.memory_space<vmem>>) semaphore(%dma_start3A_298 : memref<!tpu.dma_semaphore, #tpu.memory_space<semaphore_mem>>)
      } else {
      }
      %lt3A_157 = arith.constant 32 : i32
      %lt3A_158 = arith.cmpi slt, %add3A_142, %lt3A_157 : i32
      %convert_element_type3A_159 = arith.extui %lt3A_158 : i1 to i32
      %cond3A_160 = arith.constant 0 : i32
      %cond3A_161 = arith.cmpi ne, %convert_element_type3A_159, %cond3A_160 : i32
      scf.if %cond3A_161 {
        %dma_wait3A_283 = arith.constant 0 : i32
        %dma_wait3A_284 = arith.constant 0 : i32
        %dma_wait3A_285 = arith.constant 0 : i32
        %dma_wait3A_286 = arith.constant 0 : i32
        %dma_wait3A_287 = tpu.memref_slice %arg13[%dma_wait3A_283, %dma_wait3A_285, %dma_wait3A_286] : memref<6x16x1024xf32, #tpu.memory_space<vmem>> -> memref<1x16x1024xf32, #tpu.memory_space<vmem>>
        %dma_wait3A_288 = tpu.memref_squeeze %dma_wait3A_287 : memref<1x16x1024xf32, #tpu.memory_space<vmem>> -> memref<16x1024xf32, #tpu.memory_space<vmem>>
        %dma_wait3A_289 = arith.constant 0 : i32
        %dma_wait3A_290 = tpu.memref_slice %arg12[%dma_wait3A_289] : memref<512xi32, #tpu.memory_space<vmem>> -> memref<16xi32, #tpu.memory_space<vmem>>
        %dma_wait3A_291 = arith.constant 0 : i32
        %dma_wait3A_292 = arith.constant 0 : i32
        %dma_wait3A_293 = tpu.memref_slice %arg2[%dma_wait3A_291, %dma_wait3A_292] : memref<65536x1024xf32, #tpu.memory_space<hbm>> -> memref<65536x1024xf32, #tpu.memory_space<hbm>>
        %dma_wait3A_294 = tpu.memref_slice %arg14[%dma_wait3A_284] : memref<6x!tpu.dma_semaphore, #tpu.memory_space<semaphore_mem>> -> memref<1x!tpu.dma_semaphore, #tpu.memory_space<semaphore_mem>>
        %dma_wait3A_295 = tpu.memref_squeeze %dma_wait3A_294 : memref<1x!tpu.dma_semaphore, #tpu.memory_space<semaphore_mem>> -> memref<!tpu.dma_semaphore, #tpu.memory_space<semaphore_mem>>
        tpu.wait_indirect_dma semaphore(%dma_wait3A_295 : memref<!tpu.dma_semaphore, #tpu.memory_space<semaphore_mem>>) src(%dma_wait3A_293 : memref<65536x1024xf32, #tpu.memory_space<hbm>>) dst(%dma_wait3A_288 : memref<16x1024xf32, #tpu.memory_space<vmem>>)
        %mul3A_296 = arith.constant 16 : i32
        %mul3A_297 = arith.muli %add3A_142, %mul3A_296 : i32
        %add3A_298 = arith.addi %add3A_38, %mul3A_297 : i32
        %dma_start3A_299 = arith.constant 0 : i32
        %dma_start3A_300 = arith.constant 0 : i32
        %dma_start3A_301 = arith.constant 0 : i32
        %dma_start3A_302 = arith.constant 0 : i32
        %dma_start3A_303 = tpu.memref_slice %arg13[%dma_start3A_299, %dma_start3A_301, %dma_start3A_302] : memref<6x16x1024xf32, #tpu.memory_space<vmem>> -> memref<1x16x1024xf32, #tpu.memory_space<vmem>>
        %dma_start3A_304 = tpu.memref_squeeze %dma_start3A_303 : memref<1x16x1024xf32, #tpu.memory_space<vmem>> -> memref<16x1024xf32, #tpu.memory_space<vmem>>
        %dma_start3A_305 = arith.constant 0 : i32
        %dma_start3A_306 = tpu.memref_slice %arg4[%add3A_298, %dma_start3A_305] : memref<16384x1024xf32, #tpu.memory_space<hbm>> -> memref<16x1024xf32, #tpu.memory_space<hbm>>
        %dma_start3A_307 = tpu.memref_slice %arg15[%dma_start3A_300] : memref<6x!tpu.dma_semaphore, #tpu.memory_space<semaphore_mem>> -> memref<1x!tpu.dma_semaphore, #tpu.memory_space<semaphore_mem>>
        %dma_start3A_308 = tpu.memref_squeeze %dma_start3A_307 : memref<1x!tpu.dma_semaphore, #tpu.memory_space<semaphore_mem>> -> memref<!tpu.dma_semaphore, #tpu.memory_space<semaphore_mem>>
        %dma_start3A_309 = arith.constant 0 : i32
        %dma_start3A_310 = tpu.memref_slice %arg4[%add3A_298, %dma_start3A_309] : memref<16384x1024xf32, #tpu.memory_space<hbm>> -> memref<16x1024xf32, #tpu.memory_space<hbm>>
        %dma_start3A_311 = arith.constant 0 : i32
        %dma_start3A_312 = arith.constant 0 : i32
        %dma_start3A_313 = tpu.memref_slice %arg13[%dma_start3A_299, %dma_start3A_311, %dma_start3A_312] : memref<6x16x1024xf32, #tpu.memory_space<vmem>> -> memref<1x16x1024xf32, #tpu.memory_space<vmem>>
        %dma_start3A_314 = tpu.memref_squeeze %dma_start3A_313 : memref<1x16x1024xf32, #tpu.memory_space<vmem>> -> memref<16x1024xf32, #tpu.memory_space<vmem>>
        tpu.enqueue_dma source(%dma_start3A_314 : memref<16x1024xf32, #tpu.memory_space<vmem>>) target(%dma_start3A_310 : memref<16x1024xf32, #tpu.memory_space<hbm>>) target_semaphore(%dma_start3A_308 : memref<!tpu.dma_semaphore, #tpu.memory_space<semaphore_mem>>)
      } else {
      }
      %mul3A_162 = arith.constant 6 : i32
      %mul3A_163 = arith.muli %scan3A_137, %mul3A_162 : i32
      %add3A_164 = arith.constant 1 : i32
      %add3A_165 = arith.addi %mul3A_163, %add3A_164 : i32
      %ge3A_166 = arith.constant 3 : i32
      %ge3A_167 = arith.cmpi sge, %add3A_165, %ge3A_166 : i32
      %lt3A_168 = arith.constant 32 : i32
      %lt3A_169 = arith.cmpi slt, %add3A_165, %lt3A_168 : i32
      %and3A_170 = arith.andi %ge3A_167, %lt3A_169 : i1
      %convert_element_type3A_171 = arith.extui %and3A_170 : i1 to i32
      %cond3A_172 = arith.constant 0 : i32
      %cond3A_173 = arith.cmpi ne, %convert_element_type3A_171, %cond3A_172 : i32
      scf.if %cond3A_173 {
        %dma_wait3A_283 = arith.constant 4 : i32
        %dma_wait3A_284 = arith.constant 4 : i32
        %dma_wait3A_285 = arith.constant 0 : i32
        %dma_wait3A_286 = arith.constant 0 : i32
        %dma_wait3A_287 = tpu.memref_slice %arg13[%dma_wait3A_283, %dma_wait3A_285, %dma_wait3A_286] : memref<6x16x1024xf32, #tpu.memory_space<vmem>> -> memref<1x16x1024xf32, #tpu.memory_space<vmem>>
        %dma_wait3A_288 = tpu.memref_squeeze %dma_wait3A_287 : memref<1x16x1024xf32, #tpu.memory_space<vmem>> -> memref<16x1024xf32, #tpu.memory_space<vmem>>
        %dma_wait3A_289 = arith.constant 0 : i32
        %dma_wait3A_290 = tpu.memref_slice %arg4[%add3A_38, %dma_wait3A_289] : memref<16384x1024xf32, #tpu.memory_space<hbm>> -> memref<16x1024xf32, #tpu.memory_space<hbm>>
        %dma_wait3A_291 = tpu.memref_slice %arg15[%dma_wait3A_284] : memref<6x!tpu.dma_semaphore, #tpu.memory_space<semaphore_mem>> -> memref<1x!tpu.dma_semaphore, #tpu.memory_space<semaphore_mem>>
        %dma_wait3A_292 = tpu.memref_squeeze %dma_wait3A_291 : memref<1x!tpu.dma_semaphore, #tpu.memory_space<semaphore_mem>> -> memref<!tpu.dma_semaphore, #tpu.memory_space<semaphore_mem>>
        %dma_wait3A_293 = arith.constant 0 : i32
        %dma_wait3A_294 = tpu.memref_slice %arg4[%add3A_38, %dma_wait3A_293] : memref<16384x1024xf32, #tpu.memory_space<hbm>> -> memref<16x1024xf32, #tpu.memory_space<hbm>>
        %dma_wait3A_295 = arith.constant 0 : i32
        %dma_wait3A_296 = arith.constant 0 : i32
        %dma_wait3A_297 = tpu.memref_slice %arg13[%dma_wait3A_283, %dma_wait3A_295, %dma_wait3A_296] : memref<6x16x1024xf32, #tpu.memory_space<vmem>> -> memref<1x16x1024xf32, #tpu.memory_space<vmem>>
        %dma_wait3A_298 = tpu.memref_squeeze %dma_wait3A_297 : memref<1x16x1024xf32, #tpu.memory_space<vmem>> -> memref<16x1024xf32, #tpu.memory_space<vmem>>
        tpu.wait_dma2 semaphore(%dma_wait3A_292 : memref<!tpu.dma_semaphore, #tpu.memory_space<semaphore_mem>>) src(%dma_wait3A_298 : memref<16x1024xf32, #tpu.memory_space<vmem>>) dst(%dma_wait3A_294 : memref<16x1024xf32, #tpu.memory_space<hbm>>)
      } else {
      }
      %add3A_174 = arith.constant 3 : i32
      %add3A_175 = arith.addi %add3A_165, %add3A_174 : i32
      %lt3A_176 = arith.constant 32 : i32
      %lt3A_177 = arith.cmpi slt, %add3A_175, %lt3A_176 : i32
      %convert_element_type3A_178 = arith.extui %lt3A_177 : i1 to i32
      %cond3A_179 = arith.constant 0 : i32
      %cond3A_180 = arith.cmpi ne, %convert_element_type3A_178, %cond3A_179 : i32
      scf.if %cond3A_180 {
        %add3A_283 = arith.constant 3 : i32
        %add3A_284 = arith.addi %add3A_165, %add3A_283 : i32
        %mul3A_285 = arith.constant 16 : i32
        %mul3A_286 = arith.muli %add3A_284, %mul3A_285 : i32
        %dma_start3A_287 = arith.constant 4 : i32
        %dma_start3A_288 = arith.constant 4 : i32
        %dma_start3A_289 = arith.constant 0 : i32
        %dma_start3A_290 = arith.constant 0 : i32
        %dma_start3A_291 = tpu.memref_slice %arg13[%dma_start3A_287, %dma_start3A_289, %dma_start3A_290] : memref<6x16x1024xf32, #tpu.memory_space<vmem>> -> memref<1x16x1024xf32, #tpu.memory_space<vmem>>
        %dma_start3A_292 = tpu.memref_squeeze %dma_start3A_291 : memref<1x16x1024xf32, #tpu.memory_space<vmem>> -> memref<16x1024xf32, #tpu.memory_space<vmem>>
        %dma_start3A_293 = tpu.memref_slice %arg12[%mul3A_286] : memref<512xi32, #tpu.memory_space<vmem>> -> memref<16xi32, #tpu.memory_space<vmem>>
        %dma_start3A_294 = arith.constant 0 : i32
        %dma_start3A_295 = arith.constant 0 : i32
        %dma_start3A_296 = tpu.memref_slice %arg2[%dma_start3A_294, %dma_start3A_295] : memref<65536x1024xf32, #tpu.memory_space<hbm>> -> memref<65536x1024xf32, #tpu.memory_space<hbm>>
        %dma_start3A_297 = tpu.memref_slice %arg14[%dma_start3A_288] : memref<6x!tpu.dma_semaphore, #tpu.memory_space<semaphore_mem>> -> memref<1x!tpu.dma_semaphore, #tpu.memory_space<semaphore_mem>>
        %dma_start3A_298 = tpu.memref_squeeze %dma_start3A_297 : memref<1x!tpu.dma_semaphore, #tpu.memory_space<semaphore_mem>> -> memref<!tpu.dma_semaphore, #tpu.memory_space<semaphore_mem>>
        tpu.enqueue_indirect_dma source(%dma_start3A_296 : memref<65536x1024xf32, #tpu.memory_space<hbm>>) target(%dma_start3A_292 : memref<16x1024xf32, #tpu.memory_space<vmem>>) offsets(%dma_start3A_293 : memref<16xi32, #tpu.memory_space<vmem>>) semaphore(%dma_start3A_298 : memref<!tpu.dma_semaphore, #tpu.memory_space<semaphore_mem>>)
      } else {
      }
      %lt3A_181 = arith.constant 32 : i32
      %lt3A_182 = arith.cmpi slt, %add3A_165, %lt3A_181 : i32
      %convert_element_type3A_183 = arith.extui %lt3A_182 : i1 to i32
      %cond3A_184 = arith.constant 0 : i32
      %cond3A_185 = arith.cmpi ne, %convert_element_type3A_183, %cond3A_184 : i32
      scf.if %cond3A_185 {
        %dma_wait3A_283 = arith.constant 1 : i32
        %dma_wait3A_284 = arith.constant 1 : i32
        %dma_wait3A_285 = arith.constant 0 : i32
        %dma_wait3A_286 = arith.constant 0 : i32
        %dma_wait3A_287 = tpu.memref_slice %arg13[%dma_wait3A_283, %dma_wait3A_285, %dma_wait3A_286] : memref<6x16x1024xf32, #tpu.memory_space<vmem>> -> memref<1x16x1024xf32, #tpu.memory_space<vmem>>
        %dma_wait3A_288 = tpu.memref_squeeze %dma_wait3A_287 : memref<1x16x1024xf32, #tpu.memory_space<vmem>> -> memref<16x1024xf32, #tpu.memory_space<vmem>>
        %dma_wait3A_289 = arith.constant 0 : i32
        %dma_wait3A_290 = tpu.memref_slice %arg12[%dma_wait3A_289] : memref<512xi32, #tpu.memory_space<vmem>> -> memref<16xi32, #tpu.memory_space<vmem>>
        %dma_wait3A_291 = arith.constant 0 : i32
        %dma_wait3A_292 = arith.constant 0 : i32
        %dma_wait3A_293 = tpu.memref_slice %arg2[%dma_wait3A_291, %dma_wait3A_292] : memref<65536x1024xf32, #tpu.memory_space<hbm>> -> memref<65536x1024xf32, #tpu.memory_space<hbm>>
        %dma_wait3A_294 = tpu.memref_slice %arg14[%dma_wait3A_284] : memref<6x!tpu.dma_semaphore, #tpu.memory_space<semaphore_mem>> -> memref<1x!tpu.dma_semaphore, #tpu.memory_space<semaphore_mem>>
        %dma_wait3A_295 = tpu.memref_squeeze %dma_wait3A_294 : memref<1x!tpu.dma_semaphore, #tpu.memory_space<semaphore_mem>> -> memref<!tpu.dma_semaphore, #tpu.memory_space<semaphore_mem>>
        tpu.wait_indirect_dma semaphore(%dma_wait3A_295 : memref<!tpu.dma_semaphore, #tpu.memory_space<semaphore_mem>>) src(%dma_wait3A_293 : memref<65536x1024xf32, #tpu.memory_space<hbm>>) dst(%dma_wait3A_288 : memref<16x1024xf32, #tpu.memory_space<vmem>>)
        %mul3A_296 = arith.constant 16 : i32
        %mul3A_297 = arith.muli %add3A_165, %mul3A_296 : i32
        %add3A_298 = arith.addi %add3A_38, %mul3A_297 : i32
        %dma_start3A_299 = arith.constant 1 : i32
        %dma_start3A_300 = arith.constant 1 : i32
        %dma_start3A_301 = arith.constant 0 : i32
        %dma_start3A_302 = arith.constant 0 : i32
        %dma_start3A_303 = tpu.memref_slice %arg13[%dma_start3A_299, %dma_start3A_301, %dma_start3A_302] : memref<6x16x1024xf32, #tpu.memory_space<vmem>> -> memref<1x16x1024xf32, #tpu.memory_space<vmem>>
        %dma_start3A_304 = tpu.memref_squeeze %dma_start3A_303 : memref<1x16x1024xf32, #tpu.memory_space<vmem>> -> memref<16x1024xf32, #tpu.memory_space<vmem>>
        %dma_start3A_305 = arith.constant 0 : i32
        %dma_start3A_306 = tpu.memref_slice %arg4[%add3A_298, %dma_start3A_305] : memref<16384x1024xf32, #tpu.memory_space<hbm>> -> memref<16x1024xf32, #tpu.memory_space<hbm>>
        %dma_start3A_307 = tpu.memref_slice %arg15[%dma_start3A_300] : memref<6x!tpu.dma_semaphore, #tpu.memory_space<semaphore_mem>> -> memref<1x!tpu.dma_semaphore, #tpu.memory_space<semaphore_mem>>
        %dma_start3A_308 = tpu.memref_squeeze %dma_start3A_307 : memref<1x!tpu.dma_semaphore, #tpu.memory_space<semaphore_mem>> -> memref<!tpu.dma_semaphore, #tpu.memory_space<semaphore_mem>>
        %dma_start3A_309 = arith.constant 0 : i32
        %dma_start3A_310 = tpu.memref_slice %arg4[%add3A_298, %dma_start3A_309] : memref<16384x1024xf32, #tpu.memory_space<hbm>> -> memref<16x1024xf32, #tpu.memory_space<hbm>>
        %dma_start3A_311 = arith.constant 0 : i32
        %dma_start3A_312 = arith.constant 0 : i32
        %dma_start3A_313 = tpu.memref_slice %arg13[%dma_start3A_299, %dma_start3A_311, %dma_start3A_312] : memref<6x16x1024xf32, #tpu.memory_space<vmem>> -> memref<1x16x1024xf32, #tpu.memory_space<vmem>>
        %dma_start3A_314 = tpu.memref_squeeze %dma_start3A_313 : memref<1x16x1024xf32, #tpu.memory_space<vmem>> -> memref<16x1024xf32, #tpu.memory_space<vmem>>
        tpu.enqueue_dma source(%dma_start3A_314 : memref<16x1024xf32, #tpu.memory_space<vmem>>) target(%dma_start3A_310 : memref<16x1024xf32, #tpu.memory_space<hbm>>) target_semaphore(%dma_start3A_308 : memref<!tpu.dma_semaphore, #tpu.memory_space<semaphore_mem>>)
      } else {
      }
      %mul3A_186 = arith.constant 6 : i32
      %mul3A_187 = arith.muli %scan3A_137, %mul3A_186 : i32
      %add3A_188 = arith.constant 2 : i32
      %add3A_189 = arith.addi %mul3A_187, %add3A_188 : i32
      %ge3A_190 = arith.constant 3 : i32
      %ge3A_191 = arith.cmpi sge, %add3A_189, %ge3A_190 : i32
      %lt3A_192 = arith.constant 32 : i32
      %lt3A_193 = arith.cmpi slt, %add3A_189, %lt3A_192 : i32
      %and3A_194 = arith.andi %ge3A_191, %lt3A_193 : i1
      %convert_element_type3A_195 = arith.extui %and3A_194 : i1 to i32
      %cond3A_196 = arith.constant 0 : i32
      %cond3A_197 = arith.cmpi ne, %convert_element_type3A_195, %cond3A_196 : i32
      scf.if %cond3A_197 {
        %dma_wait3A_283 = arith.constant 5 : i32
        %dma_wait3A_284 = arith.constant 5 : i32
        %dma_wait3A_285 = arith.constant 0 : i32
        %dma_wait3A_286 = arith.constant 0 : i32
        %dma_wait3A_287 = tpu.memref_slice %arg13[%dma_wait3A_283, %dma_wait3A_285, %dma_wait3A_286] : memref<6x16x1024xf32, #tpu.memory_space<vmem>> -> memref<1x16x1024xf32, #tpu.memory_space<vmem>>
        %dma_wait3A_288 = tpu.memref_squeeze %dma_wait3A_287 : memref<1x16x1024xf32, #tpu.memory_space<vmem>> -> memref<16x1024xf32, #tpu.memory_space<vmem>>
        %dma_wait3A_289 = arith.constant 0 : i32
        %dma_wait3A_290 = tpu.memref_slice %arg4[%add3A_38, %dma_wait3A_289] : memref<16384x1024xf32, #tpu.memory_space<hbm>> -> memref<16x1024xf32, #tpu.memory_space<hbm>>
        %dma_wait3A_291 = tpu.memref_slice %arg15[%dma_wait3A_284] : memref<6x!tpu.dma_semaphore, #tpu.memory_space<semaphore_mem>> -> memref<1x!tpu.dma_semaphore, #tpu.memory_space<semaphore_mem>>
        %dma_wait3A_292 = tpu.memref_squeeze %dma_wait3A_291 : memref<1x!tpu.dma_semaphore, #tpu.memory_space<semaphore_mem>> -> memref<!tpu.dma_semaphore, #tpu.memory_space<semaphore_mem>>
        %dma_wait3A_293 = arith.constant 0 : i32
        %dma_wait3A_294 = tpu.memref_slice %arg4[%add3A_38, %dma_wait3A_293] : memref<16384x1024xf32, #tpu.memory_space<hbm>> -> memref<16x1024xf32, #tpu.memory_space<hbm>>
        %dma_wait3A_295 = arith.constant 0 : i32
        %dma_wait3A_296 = arith.constant 0 : i32
        %dma_wait3A_297 = tpu.memref_slice %arg13[%dma_wait3A_283, %dma_wait3A_295, %dma_wait3A_296] : memref<6x16x1024xf32, #tpu.memory_space<vmem>> -> memref<1x16x1024xf32, #tpu.memory_space<vmem>>
        %dma_wait3A_298 = tpu.memref_squeeze %dma_wait3A_297 : memref<1x16x1024xf32, #tpu.memory_space<vmem>> -> memref<16x1024xf32, #tpu.memory_space<vmem>>
        tpu.wait_dma2 semaphore(%dma_wait3A_292 : memref<!tpu.dma_semaphore, #tpu.memory_space<semaphore_mem>>) src(%dma_wait3A_298 : memref<16x1024xf32, #tpu.memory_space<vmem>>) dst(%dma_wait3A_294 : memref<16x1024xf32, #tpu.memory_space<hbm>>)
      } else {
      }
      %add3A_198 = arith.constant 3 : i32
      %add3A_199 = arith.addi %add3A_189, %add3A_198 : i32
      %lt3A_200 = arith.constant 32 : i32
      %lt3A_201 = arith.cmpi slt, %add3A_199, %lt3A_200 : i32
      %convert_element_type3A_202 = arith.extui %lt3A_201 : i1 to i32
      %cond3A_203 = arith.constant 0 : i32
      %cond3A_204 = arith.cmpi ne, %convert_element_type3A_202, %cond3A_203 : i32
      scf.if %cond3A_204 {
        %add3A_283 = arith.constant 3 : i32
        %add3A_284 = arith.addi %add3A_189, %add3A_283 : i32
        %mul3A_285 = arith.constant 16 : i32
        %mul3A_286 = arith.muli %add3A_284, %mul3A_285 : i32
        %dma_start3A_287 = arith.constant 5 : i32
        %dma_start3A_288 = arith.constant 5 : i32
        %dma_start3A_289 = arith.constant 0 : i32
        %dma_start3A_290 = arith.constant 0 : i32
        %dma_start3A_291 = tpu.memref_slice %arg13[%dma_start3A_287, %dma_start3A_289, %dma_start3A_290] : memref<6x16x1024xf32, #tpu.memory_space<vmem>> -> memref<1x16x1024xf32, #tpu.memory_space<vmem>>
        %dma_start3A_292 = tpu.memref_squeeze %dma_start3A_291 : memref<1x16x1024xf32, #tpu.memory_space<vmem>> -> memref<16x1024xf32, #tpu.memory_space<vmem>>
        %dma_start3A_293 = tpu.memref_slice %arg12[%mul3A_286] : memref<512xi32, #tpu.memory_space<vmem>> -> memref<16xi32, #tpu.memory_space<vmem>>
        %dma_start3A_294 = arith.constant 0 : i32
        %dma_start3A_295 = arith.constant 0 : i32
        %dma_start3A_296 = tpu.memref_slice %arg2[%dma_start3A_294, %dma_start3A_295] : memref<65536x1024xf32, #tpu.memory_space<hbm>> -> memref<65536x1024xf32, #tpu.memory_space<hbm>>
        %dma_start3A_297 = tpu.memref_slice %arg14[%dma_start3A_288] : memref<6x!tpu.dma_semaphore, #tpu.memory_space<semaphore_mem>> -> memref<1x!tpu.dma_semaphore, #tpu.memory_space<semaphore_mem>>
        %dma_start3A_298 = tpu.memref_squeeze %dma_start3A_297 : memref<1x!tpu.dma_semaphore, #tpu.memory_space<semaphore_mem>> -> memref<!tpu.dma_semaphore, #tpu.memory_space<semaphore_mem>>
        tpu.enqueue_indirect_dma source(%dma_start3A_296 : memref<65536x1024xf32, #tpu.memory_space<hbm>>) target(%dma_start3A_292 : memref<16x1024xf32, #tpu.memory_space<vmem>>) offsets(%dma_start3A_293 : memref<16xi32, #tpu.memory_space<vmem>>) semaphore(%dma_start3A_298 : memref<!tpu.dma_semaphore, #tpu.memory_space<semaphore_mem>>)
      } else {
      }
      %lt3A_205 = arith.constant 32 : i32
      %lt3A_206 = arith.cmpi slt, %add3A_189, %lt3A_205 : i32
      %convert_element_type3A_207 = arith.extui %lt3A_206 : i1 to i32
      %cond3A_208 = arith.constant 0 : i32
      %cond3A_209 = arith.cmpi ne, %convert_element_type3A_207, %cond3A_208 : i32
      scf.if %cond3A_209 {
        %dma_wait3A_283 = arith.constant 2 : i32
        %dma_wait3A_284 = arith.constant 2 : i32
        %dma_wait3A_285 = arith.constant 0 : i32
        %dma_wait3A_286 = arith.constant 0 : i32
        %dma_wait3A_287 = tpu.memref_slice %arg13[%dma_wait3A_283, %dma_wait3A_285, %dma_wait3A_286] : memref<6x16x1024xf32, #tpu.memory_space<vmem>> -> memref<1x16x1024xf32, #tpu.memory_space<vmem>>
        %dma_wait3A_288 = tpu.memref_squeeze %dma_wait3A_287 : memref<1x16x1024xf32, #tpu.memory_space<vmem>> -> memref<16x1024xf32, #tpu.memory_space<vmem>>
        %dma_wait3A_289 = arith.constant 0 : i32
        %dma_wait3A_290 = tpu.memref_slice %arg12[%dma_wait3A_289] : memref<512xi32, #tpu.memory_space<vmem>> -> memref<16xi32, #tpu.memory_space<vmem>>
        %dma_wait3A_291 = arith.constant 0 : i32
        %dma_wait3A_292 = arith.constant 0 : i32
        %dma_wait3A_293 = tpu.memref_slice %arg2[%dma_wait3A_291, %dma_wait3A_292] : memref<65536x1024xf32, #tpu.memory_space<hbm>> -> memref<65536x1024xf32, #tpu.memory_space<hbm>>
        %dma_wait3A_294 = tpu.memref_slice %arg14[%dma_wait3A_284] : memref<6x!tpu.dma_semaphore, #tpu.memory_space<semaphore_mem>> -> memref<1x!tpu.dma_semaphore, #tpu.memory_space<semaphore_mem>>
        %dma_wait3A_295 = tpu.memref_squeeze %dma_wait3A_294 : memref<1x!tpu.dma_semaphore, #tpu.memory_space<semaphore_mem>> -> memref<!tpu.dma_semaphore, #tpu.memory_space<semaphore_mem>>
        tpu.wait_indirect_dma semaphore(%dma_wait3A_295 : memref<!tpu.dma_semaphore, #tpu.memory_space<semaphore_mem>>) src(%dma_wait3A_293 : memref<65536x1024xf32, #tpu.memory_space<hbm>>) dst(%dma_wait3A_288 : memref<16x1024xf32, #tpu.memory_space<vmem>>)
        %mul3A_296 = arith.constant 16 : i32
        %mul3A_297 = arith.muli %add3A_189, %mul3A_296 : i32
        %add3A_298 = arith.addi %add3A_38, %mul3A_297 : i32
        %dma_start3A_299 = arith.constant 2 : i32
        %dma_start3A_300 = arith.constant 2 : i32
        %dma_start3A_301 = arith.constant 0 : i32
        %dma_start3A_302 = arith.constant 0 : i32
        %dma_start3A_303 = tpu.memref_slice %arg13[%dma_start3A_299, %dma_start3A_301, %dma_start3A_302] : memref<6x16x1024xf32, #tpu.memory_space<vmem>> -> memref<1x16x1024xf32, #tpu.memory_space<vmem>>
        %dma_start3A_304 = tpu.memref_squeeze %dma_start3A_303 : memref<1x16x1024xf32, #tpu.memory_space<vmem>> -> memref<16x1024xf32, #tpu.memory_space<vmem>>
        %dma_start3A_305 = arith.constant 0 : i32
        %dma_start3A_306 = tpu.memref_slice %arg4[%add3A_298, %dma_start3A_305] : memref<16384x1024xf32, #tpu.memory_space<hbm>> -> memref<16x1024xf32, #tpu.memory_space<hbm>>
        %dma_start3A_307 = tpu.memref_slice %arg15[%dma_start3A_300] : memref<6x!tpu.dma_semaphore, #tpu.memory_space<semaphore_mem>> -> memref<1x!tpu.dma_semaphore, #tpu.memory_space<semaphore_mem>>
        %dma_start3A_308 = tpu.memref_squeeze %dma_start3A_307 : memref<1x!tpu.dma_semaphore, #tpu.memory_space<semaphore_mem>> -> memref<!tpu.dma_semaphore, #tpu.memory_space<semaphore_mem>>
        %dma_start3A_309 = arith.constant 0 : i32
        %dma_start3A_310 = tpu.memref_slice %arg4[%add3A_298, %dma_start3A_309] : memref<16384x1024xf32, #tpu.memory_space<hbm>> -> memref<16x1024xf32, #tpu.memory_space<hbm>>
        %dma_start3A_311 = arith.constant 0 : i32
        %dma_start3A_312 = arith.constant 0 : i32
        %dma_start3A_313 = tpu.memref_slice %arg13[%dma_start3A_299, %dma_start3A_311, %dma_start3A_312] : memref<6x16x1024xf32, #tpu.memory_space<vmem>> -> memref<1x16x1024xf32, #tpu.memory_space<vmem>>
        %dma_start3A_314 = tpu.memref_squeeze %dma_start3A_313 : memref<1x16x1024xf32, #tpu.memory_space<vmem>> -> memref<16x1024xf32, #tpu.memory_space<vmem>>
        tpu.enqueue_dma source(%dma_start3A_314 : memref<16x1024xf32, #tpu.memory_space<vmem>>) target(%dma_start3A_310 : memref<16x1024xf32, #tpu.memory_space<hbm>>) target_semaphore(%dma_start3A_308 : memref<!tpu.dma_semaphore, #tpu.memory_space<semaphore_mem>>)
      } else {
      }
      %mul3A_210 = arith.constant 6 : i32
      %mul3A_211 = arith.muli %scan3A_137, %mul3A_210 : i32
      %add3A_212 = arith.constant 3 : i32
      %add3A_213 = arith.addi %mul3A_211, %add3A_212 : i32
      %ge3A_214 = arith.constant 3 : i32
      %ge3A_215 = arith.cmpi sge, %add3A_213, %ge3A_214 : i32
      %lt3A_216 = arith.constant 32 : i32
      %lt3A_217 = arith.cmpi slt, %add3A_213, %lt3A_216 : i32
      %and3A_218 = arith.andi %ge3A_215, %lt3A_217 : i1
      %convert_element_type3A_219 = arith.extui %and3A_218 : i1 to i32
      %cond3A_220 = arith.constant 0 : i32
      %cond3A_221 = arith.cmpi ne, %convert_element_type3A_219, %cond3A_220 : i32
      scf.if %cond3A_221 {
        %dma_wait3A_283 = arith.constant 0 : i32
        %dma_wait3A_284 = arith.constant 0 : i32
        %dma_wait3A_285 = arith.constant 0 : i32
        %dma_wait3A_286 = arith.constant 0 : i32
        %dma_wait3A_287 = tpu.memref_slice %arg13[%dma_wait3A_283, %dma_wait3A_285, %dma_wait3A_286] : memref<6x16x1024xf32, #tpu.memory_space<vmem>> -> memref<1x16x1024xf32, #tpu.memory_space<vmem>>
        %dma_wait3A_288 = tpu.memref_squeeze %dma_wait3A_287 : memref<1x16x1024xf32, #tpu.memory_space<vmem>> -> memref<16x1024xf32, #tpu.memory_space<vmem>>
        %dma_wait3A_289 = arith.constant 0 : i32
        %dma_wait3A_290 = tpu.memref_slice %arg4[%add3A_38, %dma_wait3A_289] : memref<16384x1024xf32, #tpu.memory_space<hbm>> -> memref<16x1024xf32, #tpu.memory_space<hbm>>
        %dma_wait3A_291 = tpu.memref_slice %arg15[%dma_wait3A_284] : memref<6x!tpu.dma_semaphore, #tpu.memory_space<semaphore_mem>> -> memref<1x!tpu.dma_semaphore, #tpu.memory_space<semaphore_mem>>
        %dma_wait3A_292 = tpu.memref_squeeze %dma_wait3A_291 : memref<1x!tpu.dma_semaphore, #tpu.memory_space<semaphore_mem>> -> memref<!tpu.dma_semaphore, #tpu.memory_space<semaphore_mem>>
        %dma_wait3A_293 = arith.constant 0 : i32
        %dma_wait3A_294 = tpu.memref_slice %arg4[%add3A_38, %dma_wait3A_293] : memref<16384x1024xf32, #tpu.memory_space<hbm>> -> memref<16x1024xf32, #tpu.memory_space<hbm>>
        %dma_wait3A_295 = arith.constant 0 : i32
        %dma_wait3A_296 = arith.constant 0 : i32
        %dma_wait3A_297 = tpu.memref_slice %arg13[%dma_wait3A_283, %dma_wait3A_295, %dma_wait3A_296] : memref<6x16x1024xf32, #tpu.memory_space<vmem>> -> memref<1x16x1024xf32, #tpu.memory_space<vmem>>
        %dma_wait3A_298 = tpu.memref_squeeze %dma_wait3A_297 : memref<1x16x1024xf32, #tpu.memory_space<vmem>> -> memref<16x1024xf32, #tpu.memory_space<vmem>>
        tpu.wait_dma2 semaphore(%dma_wait3A_292 : memref<!tpu.dma_semaphore, #tpu.memory_space<semaphore_mem>>) src(%dma_wait3A_298 : memref<16x1024xf32, #tpu.memory_space<vmem>>) dst(%dma_wait3A_294 : memref<16x1024xf32, #tpu.memory_space<hbm>>)
      } else {
      }
      %add3A_222 = arith.constant 3 : i32
      %add3A_223 = arith.addi %add3A_213, %add3A_222 : i32
      %lt3A_224 = arith.constant 32 : i32
      %lt3A_225 = arith.cmpi slt, %add3A_223, %lt3A_224 : i32
      %convert_element_type3A_226 = arith.extui %lt3A_225 : i1 to i32
      %cond3A_227 = arith.constant 0 : i32
      %cond3A_228 = arith.cmpi ne, %convert_element_type3A_226, %cond3A_227 : i32
      scf.if %cond3A_228 {
        %add3A_283 = arith.constant 3 : i32
        %add3A_284 = arith.addi %add3A_213, %add3A_283 : i32
        %mul3A_285 = arith.constant 16 : i32
        %mul3A_286 = arith.muli %add3A_284, %mul3A_285 : i32
        %dma_start3A_287 = arith.constant 0 : i32
        %dma_start3A_288 = arith.constant 0 : i32
        %dma_start3A_289 = arith.constant 0 : i32
        %dma_start3A_290 = arith.constant 0 : i32
        %dma_start3A_291 = tpu.memref_slice %arg13[%dma_start3A_287, %dma_start3A_289, %dma_start3A_290] : memref<6x16x1024xf32, #tpu.memory_space<vmem>> -> memref<1x16x1024xf32, #tpu.memory_space<vmem>>
        %dma_start3A_292 = tpu.memref_squeeze %dma_start3A_291 : memref<1x16x1024xf32, #tpu.memory_space<vmem>> -> memref<16x1024xf32, #tpu.memory_space<vmem>>
        %dma_start3A_293 = tpu.memref_slice %arg12[%mul3A_286] : memref<512xi32, #tpu.memory_space<vmem>> -> memref<16xi32, #tpu.memory_space<vmem>>
        %dma_start3A_294 = arith.constant 0 : i32
        %dma_start3A_295 = arith.constant 0 : i32
        %dma_start3A_296 = tpu.memref_slice %arg2[%dma_start3A_294, %dma_start3A_295] : memref<65536x1024xf32, #tpu.memory_space<hbm>> -> memref<65536x1024xf32, #tpu.memory_space<hbm>>
        %dma_start3A_297 = tpu.memref_slice %arg14[%dma_start3A_288] : memref<6x!tpu.dma_semaphore, #tpu.memory_space<semaphore_mem>> -> memref<1x!tpu.dma_semaphore, #tpu.memory_space<semaphore_mem>>
        %dma_start3A_298 = tpu.memref_squeeze %dma_start3A_297 : memref<1x!tpu.dma_semaphore, #tpu.memory_space<semaphore_mem>> -> memref<!tpu.dma_semaphore, #tpu.memory_space<semaphore_mem>>
        tpu.enqueue_indirect_dma source(%dma_start3A_296 : memref<65536x1024xf32, #tpu.memory_space<hbm>>) target(%dma_start3A_292 : memref<16x1024xf32, #tpu.memory_space<vmem>>) offsets(%dma_start3A_293 : memref<16xi32, #tpu.memory_space<vmem>>) semaphore(%dma_start3A_298 : memref<!tpu.dma_semaphore, #tpu.memory_space<semaphore_mem>>)
      } else {
      }
      %lt3A_229 = arith.constant 32 : i32
      %lt3A_230 = arith.cmpi slt, %add3A_213, %lt3A_229 : i32
      %convert_element_type3A_231 = arith.extui %lt3A_230 : i1 to i32
      %cond3A_232 = arith.constant 0 : i32
      %cond3A_233 = arith.cmpi ne, %convert_element_type3A_231, %cond3A_232 : i32
      scf.if %cond3A_233 {
        %dma_wait3A_283 = arith.constant 3 : i32
        %dma_wait3A_284 = arith.constant 3 : i32
        %dma_wait3A_285 = arith.constant 0 : i32
        %dma_wait3A_286 = arith.constant 0 : i32
        %dma_wait3A_287 = tpu.memref_slice %arg13[%dma_wait3A_283, %dma_wait3A_285, %dma_wait3A_286] : memref<6x16x1024xf32, #tpu.memory_space<vmem>> -> memref<1x16x1024xf32, #tpu.memory_space<vmem>>
        %dma_wait3A_288 = tpu.memref_squeeze %dma_wait3A_287 : memref<1x16x1024xf32, #tpu.memory_space<vmem>> -> memref<16x1024xf32, #tpu.memory_space<vmem>>
        %dma_wait3A_289 = arith.constant 0 : i32
        %dma_wait3A_290 = tpu.memref_slice %arg12[%dma_wait3A_289] : memref<512xi32, #tpu.memory_space<vmem>> -> memref<16xi32, #tpu.memory_space<vmem>>
        %dma_wait3A_291 = arith.constant 0 : i32
        %dma_wait3A_292 = arith.constant 0 : i32
        %dma_wait3A_293 = tpu.memref_slice %arg2[%dma_wait3A_291, %dma_wait3A_292] : memref<65536x1024xf32, #tpu.memory_space<hbm>> -> memref<65536x1024xf32, #tpu.memory_space<hbm>>
        %dma_wait3A_294 = tpu.memref_slice %arg14[%dma_wait3A_284] : memref<6x!tpu.dma_semaphore, #tpu.memory_space<semaphore_mem>> -> memref<1x!tpu.dma_semaphore, #tpu.memory_space<semaphore_mem>>
        %dma_wait3A_295 = tpu.memref_squeeze %dma_wait3A_294 : memref<1x!tpu.dma_semaphore, #tpu.memory_space<semaphore_mem>> -> memref<!tpu.dma_semaphore, #tpu.memory_space<semaphore_mem>>
        tpu.wait_indirect_dma semaphore(%dma_wait3A_295 : memref<!tpu.dma_semaphore, #tpu.memory_space<semaphore_mem>>) src(%dma_wait3A_293 : memref<65536x1024xf32, #tpu.memory_space<hbm>>) dst(%dma_wait3A_288 : memref<16x1024xf32, #tpu.memory_space<vmem>>)
        %mul3A_296 = arith.constant 16 : i32
        %mul3A_297 = arith.muli %add3A_213, %mul3A_296 : i32
        %add3A_298 = arith.addi %add3A_38, %mul3A_297 : i32
        %dma_start3A_299 = arith.constant 3 : i32
        %dma_start3A_300 = arith.constant 3 : i32
        %dma_start3A_301 = arith.constant 0 : i32
        %dma_start3A_302 = arith.constant 0 : i32
        %dma_start3A_303 = tpu.memref_slice %arg13[%dma_start3A_299, %dma_start3A_301, %dma_start3A_302] : memref<6x16x1024xf32, #tpu.memory_space<vmem>> -> memref<1x16x1024xf32, #tpu.memory_space<vmem>>
        %dma_start3A_304 = tpu.memref_squeeze %dma_start3A_303 : memref<1x16x1024xf32, #tpu.memory_space<vmem>> -> memref<16x1024xf32, #tpu.memory_space<vmem>>
        %dma_start3A_305 = arith.constant 0 : i32
        %dma_start3A_306 = tpu.memref_slice %arg4[%add3A_298, %dma_start3A_305] : memref<16384x1024xf32, #tpu.memory_space<hbm>> -> memref<16x1024xf32, #tpu.memory_space<hbm>>
        %dma_start3A_307 = tpu.memref_slice %arg15[%dma_start3A_300] : memref<6x!tpu.dma_semaphore, #tpu.memory_space<semaphore_mem>> -> memref<1x!tpu.dma_semaphore, #tpu.memory_space<semaphore_mem>>
        %dma_start3A_308 = tpu.memref_squeeze %dma_start3A_307 : memref<1x!tpu.dma_semaphore, #tpu.memory_space<semaphore_mem>> -> memref<!tpu.dma_semaphore, #tpu.memory_space<semaphore_mem>>
        %dma_start3A_309 = arith.constant 0 : i32
        %dma_start3A_310 = tpu.memref_slice %arg4[%add3A_298, %dma_start3A_309] : memref<16384x1024xf32, #tpu.memory_space<hbm>> -> memref<16x1024xf32, #tpu.memory_space<hbm>>
        %dma_start3A_311 = arith.constant 0 : i32
        %dma_start3A_312 = arith.constant 0 : i32
        %dma_start3A_313 = tpu.memref_slice %arg13[%dma_start3A_299, %dma_start3A_311, %dma_start3A_312] : memref<6x16x1024xf32, #tpu.memory_space<vmem>> -> memref<1x16x1024xf32, #tpu.memory_space<vmem>>
        %dma_start3A_314 = tpu.memref_squeeze %dma_start3A_313 : memref<1x16x1024xf32, #tpu.memory_space<vmem>> -> memref<16x1024xf32, #tpu.memory_space<vmem>>
        tpu.enqueue_dma source(%dma_start3A_314 : memref<16x1024xf32, #tpu.memory_space<vmem>>) target(%dma_start3A_310 : memref<16x1024xf32, #tpu.memory_space<hbm>>) target_semaphore(%dma_start3A_308 : memref<!tpu.dma_semaphore, #tpu.memory_space<semaphore_mem>>)
      } else {
      }
      %mul3A_234 = arith.constant 6 : i32
      %mul3A_235 = arith.muli %scan3A_137, %mul3A_234 : i32
      %add3A_236 = arith.constant 4 : i32
      %add3A_237 = arith.addi %mul3A_235, %add3A_236 : i32
      %ge3A_238 = arith.constant 3 : i32
      %ge3A_239 = arith.cmpi sge, %add3A_237, %ge3A_238 : i32
      %lt3A_240 = arith.constant 32 : i32
      %lt3A_241 = arith.cmpi slt, %add3A_237, %lt3A_240 : i32
      %and3A_242 = arith.andi %ge3A_239, %lt3A_241 : i1
      %convert_element_type3A_243 = arith.extui %and3A_242 : i1 to i32
      %cond3A_244 = arith.constant 0 : i32
      %cond3A_245 = arith.cmpi ne, %convert_element_type3A_243, %cond3A_244 : i32
      scf.if %cond3A_245 {
        %dma_wait3A_283 = arith.constant 1 : i32
        %dma_wait3A_284 = arith.constant 1 : i32
        %dma_wait3A_285 = arith.constant 0 : i32
        %dma_wait3A_286 = arith.constant 0 : i32
        %dma_wait3A_287 = tpu.memref_slice %arg13[%dma_wait3A_283, %dma_wait3A_285, %dma_wait3A_286] : memref<6x16x1024xf32, #tpu.memory_space<vmem>> -> memref<1x16x1024xf32, #tpu.memory_space<vmem>>
        %dma_wait3A_288 = tpu.memref_squeeze %dma_wait3A_287 : memref<1x16x1024xf32, #tpu.memory_space<vmem>> -> memref<16x1024xf32, #tpu.memory_space<vmem>>
        %dma_wait3A_289 = arith.constant 0 : i32
        %dma_wait3A_290 = tpu.memref_slice %arg4[%add3A_38, %dma_wait3A_289] : memref<16384x1024xf32, #tpu.memory_space<hbm>> -> memref<16x1024xf32, #tpu.memory_space<hbm>>
        %dma_wait3A_291 = tpu.memref_slice %arg15[%dma_wait3A_284] : memref<6x!tpu.dma_semaphore, #tpu.memory_space<semaphore_mem>> -> memref<1x!tpu.dma_semaphore, #tpu.memory_space<semaphore_mem>>
        %dma_wait3A_292 = tpu.memref_squeeze %dma_wait3A_291 : memref<1x!tpu.dma_semaphore, #tpu.memory_space<semaphore_mem>> -> memref<!tpu.dma_semaphore, #tpu.memory_space<semaphore_mem>>
        %dma_wait3A_293 = arith.constant 0 : i32
        %dma_wait3A_294 = tpu.memref_slice %arg4[%add3A_38, %dma_wait3A_293] : memref<16384x1024xf32, #tpu.memory_space<hbm>> -> memref<16x1024xf32, #tpu.memory_space<hbm>>
        %dma_wait3A_295 = arith.constant 0 : i32
        %dma_wait3A_296 = arith.constant 0 : i32
        %dma_wait3A_297 = tpu.memref_slice %arg13[%dma_wait3A_283, %dma_wait3A_295, %dma_wait3A_296] : memref<6x16x1024xf32, #tpu.memory_space<vmem>> -> memref<1x16x1024xf32, #tpu.memory_space<vmem>>
        %dma_wait3A_298 = tpu.memref_squeeze %dma_wait3A_297 : memref<1x16x1024xf32, #tpu.memory_space<vmem>> -> memref<16x1024xf32, #tpu.memory_space<vmem>>
        tpu.wait_dma2 semaphore(%dma_wait3A_292 : memref<!tpu.dma_semaphore, #tpu.memory_space<semaphore_mem>>) src(%dma_wait3A_298 : memref<16x1024xf32, #tpu.memory_space<vmem>>) dst(%dma_wait3A_294 : memref<16x1024xf32, #tpu.memory_space<hbm>>)
      } else {
      }
      %add3A_246 = arith.constant 3 : i32
      %add3A_247 = arith.addi %add3A_237, %add3A_246 : i32
      %lt3A_248 = arith.constant 32 : i32
      %lt3A_249 = arith.cmpi slt, %add3A_247, %lt3A_248 : i32
      %convert_element_type3A_250 = arith.extui %lt3A_249 : i1 to i32
      %cond3A_251 = arith.constant 0 : i32
      %cond3A_252 = arith.cmpi ne, %convert_element_type3A_250, %cond3A_251 : i32
      scf.if %cond3A_252 {
        %add3A_283 = arith.constant 3 : i32
        %add3A_284 = arith.addi %add3A_237, %add3A_283 : i32
        %mul3A_285 = arith.constant 16 : i32
        %mul3A_286 = arith.muli %add3A_284, %mul3A_285 : i32
        %dma_start3A_287 = arith.constant 1 : i32
        %dma_start3A_288 = arith.constant 1 : i32
        %dma_start3A_289 = arith.constant 0 : i32
        %dma_start3A_290 = arith.constant 0 : i32
        %dma_start3A_291 = tpu.memref_slice %arg13[%dma_start3A_287, %dma_start3A_289, %dma_start3A_290] : memref<6x16x1024xf32, #tpu.memory_space<vmem>> -> memref<1x16x1024xf32, #tpu.memory_space<vmem>>
        %dma_start3A_292 = tpu.memref_squeeze %dma_start3A_291 : memref<1x16x1024xf32, #tpu.memory_space<vmem>> -> memref<16x1024xf32, #tpu.memory_space<vmem>>
        %dma_start3A_293 = tpu.memref_slice %arg12[%mul3A_286] : memref<512xi32, #tpu.memory_space<vmem>> -> memref<16xi32, #tpu.memory_space<vmem>>
        %dma_start3A_294 = arith.constant 0 : i32
        %dma_start3A_295 = arith.constant 0 : i32
        %dma_start3A_296 = tpu.memref_slice %arg2[%dma_start3A_294, %dma_start3A_295] : memref<65536x1024xf32, #tpu.memory_space<hbm>> -> memref<65536x1024xf32, #tpu.memory_space<hbm>>
        %dma_start3A_297 = tpu.memref_slice %arg14[%dma_start3A_288] : memref<6x!tpu.dma_semaphore, #tpu.memory_space<semaphore_mem>> -> memref<1x!tpu.dma_semaphore, #tpu.memory_space<semaphore_mem>>
        %dma_start3A_298 = tpu.memref_squeeze %dma_start3A_297 : memref<1x!tpu.dma_semaphore, #tpu.memory_space<semaphore_mem>> -> memref<!tpu.dma_semaphore, #tpu.memory_space<semaphore_mem>>
        tpu.enqueue_indirect_dma source(%dma_start3A_296 : memref<65536x1024xf32, #tpu.memory_space<hbm>>) target(%dma_start3A_292 : memref<16x1024xf32, #tpu.memory_space<vmem>>) offsets(%dma_start3A_293 : memref<16xi32, #tpu.memory_space<vmem>>) semaphore(%dma_start3A_298 : memref<!tpu.dma_semaphore, #tpu.memory_space<semaphore_mem>>)
      } else {
      }
      %lt3A_253 = arith.constant 32 : i32
      %lt3A_254 = arith.cmpi slt, %add3A_237, %lt3A_253 : i32
      %convert_element_type3A_255 = arith.extui %lt3A_254 : i1 to i32
      %cond3A_256 = arith.constant 0 : i32
      %cond3A_257 = arith.cmpi ne, %convert_element_type3A_255, %cond3A_256 : i32
      scf.if %cond3A_257 {
        %dma_wait3A_283 = arith.constant 4 : i32
        %dma_wait3A_284 = arith.constant 4 : i32
        %dma_wait3A_285 = arith.constant 0 : i32
        %dma_wait3A_286 = arith.constant 0 : i32
        %dma_wait3A_287 = tpu.memref_slice %arg13[%dma_wait3A_283, %dma_wait3A_285, %dma_wait3A_286] : memref<6x16x1024xf32, #tpu.memory_space<vmem>> -> memref<1x16x1024xf32, #tpu.memory_space<vmem>>
        %dma_wait3A_288 = tpu.memref_squeeze %dma_wait3A_287 : memref<1x16x1024xf32, #tpu.memory_space<vmem>> -> memref<16x1024xf32, #tpu.memory_space<vmem>>
        %dma_wait3A_289 = arith.constant 0 : i32
        %dma_wait3A_290 = tpu.memref_slice %arg12[%dma_wait3A_289] : memref<512xi32, #tpu.memory_space<vmem>> -> memref<16xi32, #tpu.memory_space<vmem>>
        %dma_wait3A_291 = arith.constant 0 : i32
        %dma_wait3A_292 = arith.constant 0 : i32
        %dma_wait3A_293 = tpu.memref_slice %arg2[%dma_wait3A_291, %dma_wait3A_292] : memref<65536x1024xf32, #tpu.memory_space<hbm>> -> memref<65536x1024xf32, #tpu.memory_space<hbm>>
        %dma_wait3A_294 = tpu.memref_slice %arg14[%dma_wait3A_284] : memref<6x!tpu.dma_semaphore, #tpu.memory_space<semaphore_mem>> -> memref<1x!tpu.dma_semaphore, #tpu.memory_space<semaphore_mem>>
        %dma_wait3A_295 = tpu.memref_squeeze %dma_wait3A_294 : memref<1x!tpu.dma_semaphore, #tpu.memory_space<semaphore_mem>> -> memref<!tpu.dma_semaphore, #tpu.memory_space<semaphore_mem>>
        tpu.wait_indirect_dma semaphore(%dma_wait3A_295 : memref<!tpu.dma_semaphore, #tpu.memory_space<semaphore_mem>>) src(%dma_wait3A_293 : memref<65536x1024xf32, #tpu.memory_space<hbm>>) dst(%dma_wait3A_288 : memref<16x1024xf32, #tpu.memory_space<vmem>>)
        %mul3A_296 = arith.constant 16 : i32
        %mul3A_297 = arith.muli %add3A_237, %mul3A_296 : i32
        %add3A_298 = arith.addi %add3A_38, %mul3A_297 : i32
        %dma_start3A_299 = arith.constant 4 : i32
        %dma_start3A_300 = arith.constant 4 : i32
        %dma_start3A_301 = arith.constant 0 : i32
        %dma_start3A_302 = arith.constant 0 : i32
        %dma_start3A_303 = tpu.memref_slice %arg13[%dma_start3A_299, %dma_start3A_301, %dma_start3A_302] : memref<6x16x1024xf32, #tpu.memory_space<vmem>> -> memref<1x16x1024xf32, #tpu.memory_space<vmem>>
        %dma_start3A_304 = tpu.memref_squeeze %dma_start3A_303 : memref<1x16x1024xf32, #tpu.memory_space<vmem>> -> memref<16x1024xf32, #tpu.memory_space<vmem>>
        %dma_start3A_305 = arith.constant 0 : i32
        %dma_start3A_306 = tpu.memref_slice %arg4[%add3A_298, %dma_start3A_305] : memref<16384x1024xf32, #tpu.memory_space<hbm>> -> memref<16x1024xf32, #tpu.memory_space<hbm>>
        %dma_start3A_307 = tpu.memref_slice %arg15[%dma_start3A_300] : memref<6x!tpu.dma_semaphore, #tpu.memory_space<semaphore_mem>> -> memref<1x!tpu.dma_semaphore, #tpu.memory_space<semaphore_mem>>
        %dma_start3A_308 = tpu.memref_squeeze %dma_start3A_307 : memref<1x!tpu.dma_semaphore, #tpu.memory_space<semaphore_mem>> -> memref<!tpu.dma_semaphore, #tpu.memory_space<semaphore_mem>>
        %dma_start3A_309 = arith.constant 0 : i32
        %dma_start3A_310 = tpu.memref_slice %arg4[%add3A_298, %dma_start3A_309] : memref<16384x1024xf32, #tpu.memory_space<hbm>> -> memref<16x1024xf32, #tpu.memory_space<hbm>>
        %dma_start3A_311 = arith.constant 0 : i32
        %dma_start3A_312 = arith.constant 0 : i32
        %dma_start3A_313 = tpu.memref_slice %arg13[%dma_start3A_299, %dma_start3A_311, %dma_start3A_312] : memref<6x16x1024xf32, #tpu.memory_space<vmem>> -> memref<1x16x1024xf32, #tpu.memory_space<vmem>>
        %dma_start3A_314 = tpu.memref_squeeze %dma_start3A_313 : memref<1x16x1024xf32, #tpu.memory_space<vmem>> -> memref<16x1024xf32, #tpu.memory_space<vmem>>
        tpu.enqueue_dma source(%dma_start3A_314 : memref<16x1024xf32, #tpu.memory_space<vmem>>) target(%dma_start3A_310 : memref<16x1024xf32, #tpu.memory_space<hbm>>) target_semaphore(%dma_start3A_308 : memref<!tpu.dma_semaphore, #tpu.memory_space<semaphore_mem>>)
      } else {
      }
      %mul3A_258 = arith.constant 6 : i32
      %mul3A_259 = arith.muli %scan3A_137, %mul3A_258 : i32
      %add3A_260 = arith.constant 5 : i32
      %add3A_261 = arith.addi %mul3A_259, %add3A_260 : i32
      %ge3A_262 = arith.constant 3 : i32
      %ge3A_263 = arith.cmpi sge, %add3A_261, %ge3A_262 : i32
      %lt3A_264 = arith.constant 32 : i32
      %lt3A_265 = arith.cmpi slt, %add3A_261, %lt3A_264 : i32
      %and3A_266 = arith.andi %ge3A_263, %lt3A_265 : i1
      %convert_element_type3A_267 = arith.extui %and3A_266 : i1 to i32
      %cond3A_268 = arith.constant 0 : i32
      %cond3A_269 = arith.cmpi ne, %convert_element_type3A_267, %cond3A_268 : i32
      scf.if %cond3A_269 {
        %dma_wait3A_283 = arith.constant 2 : i32
        %dma_wait3A_284 = arith.constant 2 : i32
        %dma_wait3A_285 = arith.constant 0 : i32
        %dma_wait3A_286 = arith.constant 0 : i32
        %dma_wait3A_287 = tpu.memref_slice %arg13[%dma_wait3A_283, %dma_wait3A_285, %dma_wait3A_286] : memref<6x16x1024xf32, #tpu.memory_space<vmem>> -> memref<1x16x1024xf32, #tpu.memory_space<vmem>>
        %dma_wait3A_288 = tpu.memref_squeeze %dma_wait3A_287 : memref<1x16x1024xf32, #tpu.memory_space<vmem>> -> memref<16x1024xf32, #tpu.memory_space<vmem>>
        %dma_wait3A_289 = arith.constant 0 : i32
        %dma_wait3A_290 = tpu.memref_slice %arg4[%add3A_38, %dma_wait3A_289] : memref<16384x1024xf32, #tpu.memory_space<hbm>> -> memref<16x1024xf32, #tpu.memory_space<hbm>>
        %dma_wait3A_291 = tpu.memref_slice %arg15[%dma_wait3A_284] : memref<6x!tpu.dma_semaphore, #tpu.memory_space<semaphore_mem>> -> memref<1x!tpu.dma_semaphore, #tpu.memory_space<semaphore_mem>>
        %dma_wait3A_292 = tpu.memref_squeeze %dma_wait3A_291 : memref<1x!tpu.dma_semaphore, #tpu.memory_space<semaphore_mem>> -> memref<!tpu.dma_semaphore, #tpu.memory_space<semaphore_mem>>
        %dma_wait3A_293 = arith.constant 0 : i32
        %dma_wait3A_294 = tpu.memref_slice %arg4[%add3A_38, %dma_wait3A_293] : memref<16384x1024xf32, #tpu.memory_space<hbm>> -> memref<16x1024xf32, #tpu.memory_space<hbm>>
        %dma_wait3A_295 = arith.constant 0 : i32
        %dma_wait3A_296 = arith.constant 0 : i32
        %dma_wait3A_297 = tpu.memref_slice %arg13[%dma_wait3A_283, %dma_wait3A_295, %dma_wait3A_296] : memref<6x16x1024xf32, #tpu.memory_space<vmem>> -> memref<1x16x1024xf32, #tpu.memory_space<vmem>>
        %dma_wait3A_298 = tpu.memref_squeeze %dma_wait3A_297 : memref<1x16x1024xf32, #tpu.memory_space<vmem>> -> memref<16x1024xf32, #tpu.memory_space<vmem>>
        tpu.wait_dma2 semaphore(%dma_wait3A_292 : memref<!tpu.dma_semaphore, #tpu.memory_space<semaphore_mem>>) src(%dma_wait3A_298 : memref<16x1024xf32, #tpu.memory_space<vmem>>) dst(%dma_wait3A_294 : memref<16x1024xf32, #tpu.memory_space<hbm>>)
      } else {
      }
      %add3A_270 = arith.constant 3 : i32
      %add3A_271 = arith.addi %add3A_261, %add3A_270 : i32
      %lt3A_272 = arith.constant 32 : i32
      %lt3A_273 = arith.cmpi slt, %add3A_271, %lt3A_272 : i32
      %convert_element_type3A_274 = arith.extui %lt3A_273 : i1 to i32
      %cond3A_275 = arith.constant 0 : i32
      %cond3A_276 = arith.cmpi ne, %convert_element_type3A_274, %cond3A_275 : i32
      scf.if %cond3A_276 {
        %add3A_283 = arith.constant 3 : i32
        %add3A_284 = arith.addi %add3A_261, %add3A_283 : i32
        %mul3A_285 = arith.constant 16 : i32
        %mul3A_286 = arith.muli %add3A_284, %mul3A_285 : i32
        %dma_start3A_287 = arith.constant 2 : i32
        %dma_start3A_288 = arith.constant 2 : i32
        %dma_start3A_289 = arith.constant 0 : i32
        %dma_start3A_290 = arith.constant 0 : i32
        %dma_start3A_291 = tpu.memref_slice %arg13[%dma_start3A_287, %dma_start3A_289, %dma_start3A_290] : memref<6x16x1024xf32, #tpu.memory_space<vmem>> -> memref<1x16x1024xf32, #tpu.memory_space<vmem>>
        %dma_start3A_292 = tpu.memref_squeeze %dma_start3A_291 : memref<1x16x1024xf32, #tpu.memory_space<vmem>> -> memref<16x1024xf32, #tpu.memory_space<vmem>>
        %dma_start3A_293 = tpu.memref_slice %arg12[%mul3A_286] : memref<512xi32, #tpu.memory_space<vmem>> -> memref<16xi32, #tpu.memory_space<vmem>>
        %dma_start3A_294 = arith.constant 0 : i32
        %dma_start3A_295 = arith.constant 0 : i32
        %dma_start3A_296 = tpu.memref_slice %arg2[%dma_start3A_294, %dma_start3A_295] : memref<65536x1024xf32, #tpu.memory_space<hbm>> -> memref<65536x1024xf32, #tpu.memory_space<hbm>>
        %dma_start3A_297 = tpu.memref_slice %arg14[%dma_start3A_288] : memref<6x!tpu.dma_semaphore, #tpu.memory_space<semaphore_mem>> -> memref<1x!tpu.dma_semaphore, #tpu.memory_space<semaphore_mem>>
        %dma_start3A_298 = tpu.memref_squeeze %dma_start3A_297 : memref<1x!tpu.dma_semaphore, #tpu.memory_space<semaphore_mem>> -> memref<!tpu.dma_semaphore, #tpu.memory_space<semaphore_mem>>
        tpu.enqueue_indirect_dma source(%dma_start3A_296 : memref<65536x1024xf32, #tpu.memory_space<hbm>>) target(%dma_start3A_292 : memref<16x1024xf32, #tpu.memory_space<vmem>>) offsets(%dma_start3A_293 : memref<16xi32, #tpu.memory_space<vmem>>) semaphore(%dma_start3A_298 : memref<!tpu.dma_semaphore, #tpu.memory_space<semaphore_mem>>)
      } else {
      }
      %lt3A_277 = arith.constant 32 : i32
      %lt3A_278 = arith.cmpi slt, %add3A_261, %lt3A_277 : i32
      %convert_element_type3A_279 = arith.extui %lt3A_278 : i1 to i32
      %cond3A_280 = arith.constant 0 : i32
      %cond3A_281 = arith.cmpi ne, %convert_element_type3A_279, %cond3A_280 : i32
      scf.if %cond3A_281 {
        %dma_wait3A_283 = arith.constant 5 : i32
        %dma_wait3A_284 = arith.constant 5 : i32
        %dma_wait3A_285 = arith.constant 0 : i32
        %dma_wait3A_286 = arith.constant 0 : i32
        %dma_wait3A_287 = tpu.memref_slice %arg13[%dma_wait3A_283, %dma_wait3A_285, %dma_wait3A_286] : memref<6x16x1024xf32, #tpu.memory_space<vmem>> -> memref<1x16x1024xf32, #tpu.memory_space<vmem>>
        %dma_wait3A_288 = tpu.memref_squeeze %dma_wait3A_287 : memref<1x16x1024xf32, #tpu.memory_space<vmem>> -> memref<16x1024xf32, #tpu.memory_space<vmem>>
        %dma_wait3A_289 = arith.constant 0 : i32
        %dma_wait3A_290 = tpu.memref_slice %arg12[%dma_wait3A_289] : memref<512xi32, #tpu.memory_space<vmem>> -> memref<16xi32, #tpu.memory_space<vmem>>
        %dma_wait3A_291 = arith.constant 0 : i32
        %dma_wait3A_292 = arith.constant 0 : i32
        %dma_wait3A_293 = tpu.memref_slice %arg2[%dma_wait3A_291, %dma_wait3A_292] : memref<65536x1024xf32, #tpu.memory_space<hbm>> -> memref<65536x1024xf32, #tpu.memory_space<hbm>>
        %dma_wait3A_294 = tpu.memref_slice %arg14[%dma_wait3A_284] : memref<6x!tpu.dma_semaphore, #tpu.memory_space<semaphore_mem>> -> memref<1x!tpu.dma_semaphore, #tpu.memory_space<semaphore_mem>>
        %dma_wait3A_295 = tpu.memref_squeeze %dma_wait3A_294 : memref<1x!tpu.dma_semaphore, #tpu.memory_space<semaphore_mem>> -> memref<!tpu.dma_semaphore, #tpu.memory_space<semaphore_mem>>
        tpu.wait_indirect_dma semaphore(%dma_wait3A_295 : memref<!tpu.dma_semaphore, #tpu.memory_space<semaphore_mem>>) src(%dma_wait3A_293 : memref<65536x1024xf32, #tpu.memory_space<hbm>>) dst(%dma_wait3A_288 : memref<16x1024xf32, #tpu.memory_space<vmem>>)
        %mul3A_296 = arith.constant 16 : i32
        %mul3A_297 = arith.muli %add3A_261, %mul3A_296 : i32
        %add3A_298 = arith.addi %add3A_38, %mul3A_297 : i32
        %dma_start3A_299 = arith.constant 5 : i32
        %dma_start3A_300 = arith.constant 5 : i32
        %dma_start3A_301 = arith.constant 0 : i32
        %dma_start3A_302 = arith.constant 0 : i32
        %dma_start3A_303 = tpu.memref_slice %arg13[%dma_start3A_299, %dma_start3A_301, %dma_start3A_302] : memref<6x16x1024xf32, #tpu.memory_space<vmem>> -> memref<1x16x1024xf32, #tpu.memory_space<vmem>>
        %dma_start3A_304 = tpu.memref_squeeze %dma_start3A_303 : memref<1x16x1024xf32, #tpu.memory_space<vmem>> -> memref<16x1024xf32, #tpu.memory_space<vmem>>
        %dma_start3A_305 = arith.constant 0 : i32
        %dma_start3A_306 = tpu.memref_slice %arg4[%add3A_298, %dma_start3A_305] : memref<16384x1024xf32, #tpu.memory_space<hbm>> -> memref<16x1024xf32, #tpu.memory_space<hbm>>
        %dma_start3A_307 = tpu.memref_slice %arg15[%dma_start3A_300] : memref<6x!tpu.dma_semaphore, #tpu.memory_space<semaphore_mem>> -> memref<1x!tpu.dma_semaphore, #tpu.memory_space<semaphore_mem>>
        %dma_start3A_308 = tpu.memref_squeeze %dma_start3A_307 : memref<1x!tpu.dma_semaphore, #tpu.memory_space<semaphore_mem>> -> memref<!tpu.dma_semaphore, #tpu.memory_space<semaphore_mem>>
        %dma_start3A_309 = arith.constant 0 : i32
        %dma_start3A_310 = tpu.memref_slice %arg4[%add3A_298, %dma_start3A_309] : memref<16384x1024xf32, #tpu.memory_space<hbm>> -> memref<16x1024xf32, #tpu.memory_space<hbm>>
        %dma_start3A_311 = arith.constant 0 : i32
        %dma_start3A_312 = arith.constant 0 : i32
        %dma_start3A_313 = tpu.memref_slice %arg13[%dma_start3A_299, %dma_start3A_311, %dma_start3A_312] : memref<6x16x1024xf32, #tpu.memory_space<vmem>> -> memref<1x16x1024xf32, #tpu.memory_space<vmem>>
        %dma_start3A_314 = tpu.memref_squeeze %dma_start3A_313 : memref<1x16x1024xf32, #tpu.memory_space<vmem>> -> memref<16x1024xf32, #tpu.memory_space<vmem>>
        tpu.enqueue_dma source(%dma_start3A_314 : memref<16x1024xf32, #tpu.memory_space<vmem>>) target(%dma_start3A_310 : memref<16x1024xf32, #tpu.memory_space<hbm>>) target_semaphore(%dma_start3A_308 : memref<!tpu.dma_semaphore, #tpu.memory_space<semaphore_mem>>)
      } else {
      }
      %scan3A_282 = arith.constant 0 : i32
      scf.yield %scan3A_282 : i32
    }
    %scan3A_89 = arith.constant 6 : i32
    %dma_wait3A = arith.constant 5 : i32
    %dma_wait3A_90 = arith.constant 5 : i32
    %dma_wait3A_91 = arith.constant 0 : i32
    %dma_wait3A_92 = arith.constant 0 : i32
    %dma_wait3A_93 = tpu.memref_slice %arg13[%dma_wait3A, %dma_wait3A_91, %dma_wait3A_92] : memref<6x16x1024xf32, #tpu.memory_space<vmem>> -> memref<1x16x1024xf32, #tpu.memory_space<vmem>>
    %dma_wait3A_94 = tpu.memref_squeeze %dma_wait3A_93 : memref<1x16x1024xf32, #tpu.memory_space<vmem>> -> memref<16x1024xf32, #tpu.memory_space<vmem>>
    %dma_wait3A_95 = arith.constant 0 : i32
    %dma_wait3A_96 = tpu.memref_slice %arg4[%add3A_38, %dma_wait3A_95] : memref<16384x1024xf32, #tpu.memory_space<hbm>> -> memref<16x1024xf32, #tpu.memory_space<hbm>>
    %dma_wait3A_97 = tpu.memref_slice %arg15[%dma_wait3A_90] : memref<6x!tpu.dma_semaphore, #tpu.memory_space<semaphore_mem>> -> memref<1x!tpu.dma_semaphore, #tpu.memory_space<semaphore_mem>>
    %dma_wait3A_98 = tpu.memref_squeeze %dma_wait3A_97 : memref<1x!tpu.dma_semaphore, #tpu.memory_space<semaphore_mem>> -> memref<!tpu.dma_semaphore, #tpu.memory_space<semaphore_mem>>
    %dma_wait3A_99 = arith.constant 0 : i32
    %dma_wait3A_100 = tpu.memref_slice %arg4[%add3A_38, %dma_wait3A_99] : memref<16384x1024xf32, #tpu.memory_space<hbm>> -> memref<16x1024xf32, #tpu.memory_space<hbm>>
    %dma_wait3A_101 = arith.constant 0 : i32
    %dma_wait3A_102 = arith.constant 0 : i32
    %dma_wait3A_103 = tpu.memref_slice %arg13[%dma_wait3A, %dma_wait3A_101, %dma_wait3A_102] : memref<6x16x1024xf32, #tpu.memory_space<vmem>> -> memref<1x16x1024xf32, #tpu.memory_space<vmem>>
    %dma_wait3A_104 = tpu.memref_squeeze %dma_wait3A_103 : memref<1x16x1024xf32, #tpu.memory_space<vmem>> -> memref<16x1024xf32, #tpu.memory_space<vmem>>
    tpu.wait_dma2 semaphore(%dma_wait3A_98 : memref<!tpu.dma_semaphore, #tpu.memory_space<semaphore_mem>>) src(%dma_wait3A_104 : memref<16x1024xf32, #tpu.memory_space<vmem>>) dst(%dma_wait3A_100 : memref<16x1024xf32, #tpu.memory_space<hbm>>)
    %dma_wait3A_105 = arith.constant 0 : i32
    %dma_wait3A_106 = arith.constant 0 : i32
    %dma_wait3A_107 = arith.constant 0 : i32
    %dma_wait3A_108 = arith.constant 0 : i32
    %dma_wait3A_109 = tpu.memref_slice %arg13[%dma_wait3A_105, %dma_wait3A_107, %dma_wait3A_108] : memref<6x16x1024xf32, #tpu.memory_space<vmem>> -> memref<1x16x1024xf32, #tpu.memory_space<vmem>>
    %dma_wait3A_110 = tpu.memref_squeeze %dma_wait3A_109 : memref<1x16x1024xf32, #tpu.memory_space<vmem>> -> memref<16x1024xf32, #tpu.memory_space<vmem>>
    %dma_wait3A_111 = arith.constant 0 : i32
    %dma_wait3A_112 = tpu.memref_slice %arg4[%add3A_38, %dma_wait3A_111] : memref<16384x1024xf32, #tpu.memory_space<hbm>> -> memref<16x1024xf32, #tpu.memory_space<hbm>>
    %dma_wait3A_113 = tpu.memref_slice %arg15[%dma_wait3A_106] : memref<6x!tpu.dma_semaphore, #tpu.memory_space<semaphore_mem>> -> memref<1x!tpu.dma_semaphore, #tpu.memory_space<semaphore_mem>>
    %dma_wait3A_114 = tpu.memref_squeeze %dma_wait3A_113 : memref<1x!tpu.dma_semaphore, #tpu.memory_space<semaphore_mem>> -> memref<!tpu.dma_semaphore, #tpu.memory_space<semaphore_mem>>
    %dma_wait3A_115 = arith.constant 0 : i32
    %dma_wait3A_116 = tpu.memref_slice %arg4[%add3A_38, %dma_wait3A_115] : memref<16384x1024xf32, #tpu.memory_space<hbm>> -> memref<16x1024xf32, #tpu.memory_space<hbm>>
    %dma_wait3A_117 = arith.constant 0 : i32
    %dma_wait3A_118 = arith.constant 0 : i32
    %dma_wait3A_119 = tpu.memref_slice %arg13[%dma_wait3A_105, %dma_wait3A_117, %dma_wait3A_118] : memref<6x16x1024xf32, #tpu.memory_space<vmem>> -> memref<1x16x1024xf32, #tpu.memory_space<vmem>>
    %dma_wait3A_120 = tpu.memref_squeeze %dma_wait3A_119 : memref<1x16x1024xf32, #tpu.memory_space<vmem>> -> memref<16x1024xf32, #tpu.memory_space<vmem>>
    tpu.wait_dma2 semaphore(%dma_wait3A_114 : memref<!tpu.dma_semaphore, #tpu.memory_space<semaphore_mem>>) src(%dma_wait3A_120 : memref<16x1024xf32, #tpu.memory_space<vmem>>) dst(%dma_wait3A_116 : memref<16x1024xf32, #tpu.memory_space<hbm>>)
    %dma_wait3A_121 = arith.constant 1 : i32
    %dma_wait3A_122 = arith.constant 1 : i32
    %dma_wait3A_123 = arith.constant 0 : i32
    %dma_wait3A_124 = arith.constant 0 : i32
    %dma_wait3A_125 = tpu.memref_slice %arg13[%dma_wait3A_121, %dma_wait3A_123, %dma_wait3A_124] : memref<6x16x1024xf32, #tpu.memory_space<vmem>> -> memref<1x16x1024xf32, #tpu.memory_space<vmem>>
    %dma_wait3A_126 = tpu.memref_squeeze %dma_wait3A_125 : memref<1x16x1024xf32, #tpu.memory_space<vmem>> -> memref<16x1024xf32, #tpu.memory_space<vmem>>
    %dma_wait3A_127 = arith.constant 0 : i32
    %dma_wait3A_128 = tpu.memref_slice %arg4[%add3A_38, %dma_wait3A_127] : memref<16384x1024xf32, #tpu.memory_space<hbm>> -> memref<16x1024xf32, #tpu.memory_space<hbm>>
    %dma_wait3A_129 = tpu.memref_slice %arg15[%dma_wait3A_122] : memref<6x!tpu.dma_semaphore, #tpu.memory_space<semaphore_mem>> -> memref<1x!tpu.dma_semaphore, #tpu.memory_space<semaphore_mem>>
    %dma_wait3A_130 = tpu.memref_squeeze %dma_wait3A_129 : memref<1x!tpu.dma_semaphore, #tpu.memory_space<semaphore_mem>> -> memref<!tpu.dma_semaphore, #tpu.memory_space<semaphore_mem>>
    %dma_wait3A_131 = arith.constant 0 : i32
    %dma_wait3A_132 = tpu.memref_slice %arg4[%add3A_38, %dma_wait3A_131] : memref<16384x1024xf32, #tpu.memory_space<hbm>> -> memref<16x1024xf32, #tpu.memory_space<hbm>>
    %dma_wait3A_133 = arith.constant 0 : i32
    %dma_wait3A_134 = arith.constant 0 : i32
    %dma_wait3A_135 = tpu.memref_slice %arg13[%dma_wait3A_121, %dma_wait3A_133, %dma_wait3A_134] : memref<6x16x1024xf32, #tpu.memory_space<vmem>> -> memref<1x16x1024xf32, #tpu.memory_space<vmem>>
    %dma_wait3A_136 = tpu.memref_squeeze %dma_wait3A_135 : memref<1x16x1024xf32, #tpu.memory_space<vmem>> -> memref<16x1024xf32, #tpu.memory_space<vmem>>
    tpu.wait_dma2 semaphore(%dma_wait3A_130 : memref<!tpu.dma_semaphore, #tpu.memory_space<semaphore_mem>>) src(%dma_wait3A_136 : memref<16x1024xf32, #tpu.memory_space<vmem>>) dst(%dma_wait3A_132 : memref<16x1024xf32, #tpu.memory_space<hbm>>)
    return
  }
}

</mosaic_0001>

<sc_bundles>
// kernel: kernel.3.cloned.1.call-start
scs
__scs_entry_jumppad:
0x0: {  	(pc) =	sbr.rel $0x88, $3  }
0x1: {  	(tag) =	ssettag $0x0;
	lr =	simm.s32 $0x1  }
0x2: {  	[smem:$0x3F9F] =	sst lr;
	_ =	strace $0xD0000000  }
0x3: {  	_ = 	snop  }
0x4: {  	_ = 	snop  }
0x5: {  	_ = 	snop  }
0x6: {  	_ = 	snop  }
0x7: {  	_ = 	snop  }
__scs_overlays_trampoline_lowered:
0x8: {  	[smem:$0x3FAE] =	sst s0  }
0x9: {  	[smem:$0x3FAF] =	sst s1  }
0xa: {  	[smem:$0x3FB0] =	sst s2  }
0xb: {  	[smem:$0x3FB1] =	sst s3  }
0xc: {  	[smem:$0x3FB2] =	sst s4  }
0xd: {  	[smem:$0x3FB3] =	sst s5  }
0xe: {  	[smem:$0x3FB4] =	sst s6  }
0xf: {  	[smem:$0x3FB5] =	sst s7  }
0x10: {  	[smem:$0x3FB6] =	sst s8  }
0x11: {  	[smem:$0x3FB7] =	sst s9;
	s0 =	simm.s32 @!p0 $0x0  }
0x12: {  	s1 =	sld [smem:$0x3F9D];
	s0 =	simm.s32 @p0 $0x1  }
0x13: {  	[smem:$0x3FB8] =	sst s0;
	s0 =	simm.s32 @!p1 $0x0  }
0x14: {  	s2 =	sld [smem:$0x3F9C];
	s0 =	simm.s32 @p1 $0x1  }
0x15: {  	[smem:$0x3FB9] =	sst s0;
	s0 =	simm.s32 @!p2 $0x0  }
0x16: {  	s3 =	sld [smem:$0x3FDB];
	s0 =	simm.s32 @p2 $0x1  }
0x17: {  	s4 =	simm.s32 $0x1BF5;
	[smem:$0x3FBB] =	sst s0  }
0x18: {  	s0 =	sld [smem:$0x3F9E];
	_ =	swait.ge [sflag:s4], $0x0  }
0x19: {  	s7 =	sld [smem:$0x3F9F]  }
0x1a: {  	s8 =	sadd.s32 $0xFFFFE003, lr  }
0x1b: {  	s9 =	sadd.s32 $0xFFFFFEF7, lr;
	s5 =	simm.s32 $0xFFFFFFFF;
	p2 =	slt.u32 s8, $0xFFFFF086  }
0x1c: {  	p1 =	slt.u32 s9, $0xF7A;
	s5 =	simm.s32 @!p2 $0x0  }
0x1d: {  	s5 =	simm.s32 @p1 $0x1;
	p0 =	seq.s32 s7, s2  }
0x1e: {  	s7 =	smul.u32 @!p0 $0xF7A, s2;
	p2 =	seq.s32 @!p0 s5, $0x0  }
0x1f: {  	s9 =	smul.u32 $0xF7A, s1;
	s8 =	simm.s32 @!p0 $0x1BF5;
	p2 =	por !p2, p0  }
0x20: {  	[sflag:s8] =	ssyncset.s32 @!p0 $0xFFFFF086;
	s6 =	sadd.s32 @!p0 s3, s7;
	s7 =	simm.s32 @!p0 $0x108  }
0x21: {  	s3 =	sadd.s32 s3, s9;
	s6 =	sadd.s32 @!p0 $0x88, s6;
	s7 =	simm.s32 @p2 $0x1082  }
0x22: {  	[simem:s7], [sflag:s8] =	dma.local @!p0 [hbm:s6], $0xF7A  }
0x23: {  	s9 =	sor.u32 $0xD0000000, s2;
	s6 =	simm.s32 $0x108;
	_ =	swait.ge @!p0 [sflag:s8], $0x0  }
0x24: {  	s3 =	sadd.s32 $0x88, s3;
	s6 =	simm.s32 @!p1 $0x1082;
	[sflag:s4] =	ssyncset.s32 $0xFFFFF086  }
0x25: {  	[simem:s6], [sflag:s4] =	dma.local [hbm:s3], $0xF7A  }
0x26: {  	[smem:$0x3F9F] =	sst s1;
	(tag) =	ssettag s2;
	_ =	strace s9  }
0x27: {  	s1 =	sld [smem:$0x3FAF]  }
0x28: {  	s2 =	sld [smem:$0x3FB0]  }
0x29: {  	s4 =	sld [smem:$0x3FB2]  }
0x2a: {  	p0 =	seq.s32 s5, $0x0;
	s5 =	sld [smem:$0x3FB3]  }
0x2b: {  	s6 =	sld [smem:$0x3FB4]  }
0x2c: {  	s7 =	sld [smem:$0x3FB5]  }
0x2d: {  	s3 =	simm.s32 $0x108;
	s8 =	sld [smem:$0x3FB6]  }
0x2e: {  	s3 =	simm.s32 @!p0 $0x1082;
	s9 =	sld [smem:$0x3FB7]  }
0x2f: {  	lr =	sadd.s32 s0, s3;
	s0 =	sld [smem:$0x3FAE]  }
0x30: {  	s3 =	sld [smem:$0x3FB1]  }
0x31: {  	[smem:$0x3FBA] =	sst s10  }
0x32: {  	s10 =	sld [smem:$0x3FB8];
	_ =	sdelay $0x3  }
0x33: {  	p0 =	seq.s32 s10, $0x1;
	s10 =	sld [smem:$0x3FBA];
	_ =	sdelay $0x3  }
0x34: {  	[smem:$0x3FBA] =	sst s10  }
0x35: {  	s10 =	sld [smem:$0x3FB9];
	_ =	sdelay $0x3  }
0x36: {  	p1 =	seq.s32 s10, $0x1;
	s10 =	sld [smem:$0x3FBA];
	_ =	sdelay $0x3  }
0x37: {  	[smem:$0x3FBA] =	sst s10  }
0x38: {  	s10 =	sld [smem:$0x3FBB]  }
0x39: {  	_ = 	snop;
	(pc) =	sbr.ind lr, $3  }
0x3a: {  	_ = 	snop  }
0x3b: {  	_ = 	snop  }
0x3c: {  	p2 =	seq.s32 s10, $0x1;
	s10 =	sld [smem:$0x3FBA]  }
0x3d: {  	_ =	shalt  }
0x3e: {  	_ =	shalt  }
0x3f: {  	_ =	shalt  }
0x40: {  	_ =	shalt  }
0x41: {  	_ =	shalt  }
0x42: {  	_ =	shalt  }
0x43: {  	_ =	shalt  }
0x44: {  	_ =	shalt  }
0x45: {  	_ =	shalt  }
0x46: {  	_ =	shalt  }
0x47: {  	_ =	shalt  }
0x48: {  	_ =	shalt  }
0x49: {  	_ =	shalt  }
0x4a: {  	_ =	shalt  }
0x4b: {  	_ =	shalt  }
0x4c: {  	_ =	shalt  }
0x4d: {  	_ =	shalt  }
0x4e: {  	_ =	shalt  }
0x4f: {  	_ =	shalt  }
0x50: {  	_ =	shalt  }
0x51: {  	_ =	shalt  }
0x52: {  	_ =	shalt  }
0x53: {  	_ =	shalt  }
0x54: {  	_ =	shalt  }
0x55: {  	_ =	shalt  }
0x56: {  	_ =	shalt  }
0x57: {  	_ =	shalt  }
0x58: {  	_ =	shalt  }
0x59: {  	_ =	shalt  }
0x5a: {  	_ =	shalt  }
0x5b: {  	_ =	shalt  }
0x5c: {  	_ =	shalt  }
0x5d: {  	_ =	shalt  }
0x5e: {  	_ =	shalt  }
0x5f: {  	_ =	shalt  }
0x60: {  	_ =	shalt  }
0x61: {  	_ =	shalt  }
0x62: {  	_ =	shalt  }
0x63: {  	_ =	shalt  }
0x64: {  	_ =	shalt  }
0x65: {  	_ =	shalt  }
0x66: {  	_ =	shalt  }
0x67: {  	_ =	shalt  }
0x68: {  	_ =	shalt  }
0x69: {  	_ =	shalt  }
0x6a: {  	_ =	shalt  }
0x6b: {  	_ =	shalt  }
0x6c: {  	_ =	shalt  }
0x6d: {  	_ =	shalt  }
0x6e: {  	_ =	shalt  }
0x6f: {  	_ =	shalt  }
0x70: {  	_ =	shalt  }
0x71: {  	_ =	shalt  }
0x72: {  	_ =	shalt  }
0x73: {  	_ =	shalt  }
0x74: {  	_ =	shalt  }
0x75: {  	_ =	shalt  }
0x76: {  	_ =	shalt  }
0x77: {  	_ =	shalt  }
0x78: {  	_ =	shalt  }
0x79: {  	_ =	shalt  }
0x7a: {  	_ =	shalt  }
0x7b: {  	_ =	shalt  }
0x7c: {  	_ =	shalt  }
0x7d: {  	_ =	shalt  }
0x7e: {  	_ =	shalt  }
0x7f: {  	_ =	shalt  }
0x80: {  	_ =	shalt  }
0x81: {  	_ =	shalt  }
0x82: {  	_ =	shalt  }
0x83: {  	_ =	shalt  }
0x84: {  	_ =	shalt  }
0x85: {  	_ =	shalt  }
0x86: {  	_ =	shalt  }
0x87: {  	_ =	shalt  }
.Lfunc_end0:
.L_simem_size_0:
called_computation_lowered:
.L_overlay_start_0:
0x88: {  	s2 =	sld [smem:$0x3FD9]  }
0x89: {  	s3 =	sld [smem:$0x3FFE];
	_ =	sdelay $0x1  }
0x8a: {  	s1 =	srdreg.scid  }
0x8b: {  	s0 =	sand.u32 $0x1, s1  }
0x8c: {  	s14 =	sshll.u32 s0, $0xA;
	s2 =	sadd.s32 s3, s2  }
0x8d: {  	s2 =	sadd.s32 s2, s14  }
0x8e: {  	[smem:$0x3FC6] =	sst s2  }
0x8f: {  	_ = 	snop  }
0x90: {  	s2 =	sld [smem:$0x3FD0];
	_ =	sdelay $0x2  }
0x91: {  	s4 =	simm.s32 $0xA;
	s5 =	simm.s32 $0x10;
	s15 =	sld [smem:$0x3FC9]  }
0x92: {  	[smem:s5], [sflag:s4] =	dma.local [hbm:s2], $0x1  }
0x93: {  	_ =	swait.eq [sflag:s4], $0x1  }
0x94: {  	[sflag:s4] =	ssyncset.done $0x0  }
0x95: {  	s16 =	sld [smem:$0x10];
	[sflag:s4] =	ssyncadd.s32 $0xFFFFFFFF  }
0x96: {  	s17 =	sld [smem:$0x12];
	(tm) =	ssettm $0x1  }
0x97: {  	s18 =	sld [smem:$0x3FFB];
	_ =	sdelay $0x3  }
0x98: {  	_ =	strace s18  }
0x99: {  	s5 =	sld [smem:$0x3FFC];
	_ =	sdelay $0x3  }
0x9a: {  	_ =	strace s5  }
0x9b: {  	s5 =	sld [smem:$0x3FFD];
	_ =	sdelay $0x3  }
0x9c: {  	_ =	strace s5  }
0x9d: {  	_ =	strace $0x8FFFFFFF  }
0x9e: {  	s19 =	sld [smem:$0x3FDB];
	_ =	sdelay $0x1  }
0x9f: {  	s6 =	simm.s32 $_scs_section_size  }
0xa0: {  	s7 =	simm.s32 $_size__tile_overlayer_lowered;
	s8 =	simm.s32 $_tile_overlayer_lowered  }
0xa1: {  	s22 =	simm.s32 $0x1BFF;
	s21 =	sshll.u32 s8, $0x1;
	s5 =	sadd.s32 s6, s19  }
0xa2: {  	s9 =	simm.s32 $0x0;
	s20 =	sshll.u32 s7, $0x1;
	s7 =	sadd.s32 s21, s5  }
0xa3: {  	[timem:s9], [sflag:s22] =	dma.local [hbm:s7], s20  }
0xa4: {  	_ =	swait.ge [sflag:s22], s20  }
0xa5: {  	s6 =	ssub.s32 $0x0, s20;
	[sflag:s22] =	ssyncset.done $0x0  }
0xa6: {  	[sflag:s22] =	ssyncadd.s32 s6;
	_ =	sdelay $0x1  }
0xa7: {  	s23 =	simm.s32 $0x1B8B  }
0xa8: {  	_ =	swait.ge [sflag:s23], $0x1  }
0xa9: {  	[sflag:s23] =	ssyncset.done $0x0  }
0xaa: {  	s25 =	simm.s32 $0x1B8E;
	s24 =	sld [smem:$0x3FFE];
	[sflag:s23] =	ssyncadd.s32 $0xFFFFFFFF  }
0xab: {  	s26 =	simm.s32 $execute0_lowered;
	[smem:$0x3FD2] =	sst s25  }
0xac: {  	s7 =	sshll.u32 s26, $0x1;
	_ =	strace $0x80000046;
	[dreg:$0x1] =	wrdreg $0xFFFFFFFF  }
0xad: {  	s28 =	simm.s32 $_size_execute0_lowered;
	s5 =	sadd.s32 s5, s7;
	[dreg:$0x0] =	wrdreg $0x0  }
0xae: {  	s7 =	sshll.u32 s28, $0x1;
	[dreg:$0x2] =	wrdreg s5  }
0xaf: {  	[dreg:$0x3] =	wrdreg s7  }
0xb0: {  	[dreg:$0x4] =	wrdreg $0xC0  }
0xb1: {  	_ =	task [dreg:s9], $0x5FFFF  }
0xb2: {  	[dreg:$0x1] =	wrdreg $0xFFFFFFFF  }
0xb3: {  	[dreg:$0x0] =	wrdreg $0x60  }
0xb4: {  	[dreg:$0x2] =	wrdreg s15  }
0xb5: {  	[dreg:$0x3] =	wrdreg s24  }
0xb6: {  	[dreg:$0x4] =	wrdreg s16  }
0xb7: {  	[dreg:$0x5] =	wrdreg s17  }
0xb8: {  	[dreg:$0x6] =	wrdreg $0x9  }
0xb9: {  	_ =	task.clear_ibuf [dreg:s9], $0x7FFFF;
	_ =	strace $0x90000046  }
0xba: {  	s29 =	simm.s32 $0x9;
	_ =	strace $0x80000048  }
0xbb: {  	_ =	swait.ge [sflag:s29], $0x1  }
0xbc: {  	[sflag:s29] =	ssyncadd.s32 $0xFFFFFFFF  }
0xbd: {  	_ =	strace $0x90000048  }
0xbe: {  	_ =	sfence  }
0xbf: {  	s30 =	sld [smem:$0x0];
	_ =	sdelay $0x2  }
0xc0: {  	s31 =	sshll.u32 s1, $0xD;
	s1 =	sshrl.u32 s1, $0x2  }
0xc1: {  	s3 =	sand.u32 $0x4000, s31;
	s1 =	sadd.s32 s1, s30  }
0xc2: {  	s0 =	sor.u32 s3, s0;
	s1 =	sshll.u32 s1, $0x11  }
0xc3: {  	s0 =	sor.u32 s1, s0  }
0xc4: {  	s0 =	sadd.s32 $0x8F2B, s0  }
0xc5: {  	[sflag:s0] =	ssyncadd.remote.s32 $0x1  }
0xc6: {  	_ =	sfence.sel $0xFFFF  }
0xc7: {  	[dreg:$0x0] =	wrdreg $0xFFFFFFFF;
	(pc) =	sbr.abs _section_cstart, $3  }
0xc8: {  	[dreg:$0x1] =	wrdreg $0xFFFFFFFF  }
0xc9: {  	_ =	task.clear_ibuf [dreg:s9], $0x2FFFF;
	_ =	strace $0x9FFFFFFF  }
0xca: {  	(tm) =	ssettm $0x7FFFFFFF  }
0xcb: {  	_ =	shalt  }
tec
execute0_lowered:
.L_overlay_start_1:
0x0: {  	(tag) =	ssettag $0x1  }
0x1: {  	s0 =	rddreg [dreg:$0x0]  }
0x2: {  	s1 =	rddreg [dreg:$0x1]  }
0x3: {  	s4 =	rddreg [dreg:$0x2]  }
0x4: {  	s2 =	srdreg.scid;
	s5 =	rddreg [dreg:$0x3]  }
0x5: {  	s15 =	stileid.u32;
	s3 =	simm.s32 $0x0;
	s17 =	simm.s32 $0x1  }
0x6: {  	s30 =	simm.s32 $0xBB80;
	s28 =	simm.s32 $0x6;
	s2 =	sand.u32 $0x1, s2  }
0x7: {  	[smem:$0x7FF] =	sst s3;
	s11 =	sshrl.u32 s15, $0x2;
	s9 =	sshll.u32 s15, $0x9  }
0x8: {  	s29 =	sand.u32 $0x3, s15;
	p0 =	sgt.u32 s15, $0x3;
	s6 =	sshll.u32 s2, $0x2  }
0x9: {  	_ =	strace $0x80000047;
	s10 =	ssub.s32 $0x2, s2;
	s13 =	sand.u32 $0x600, s9  }
0xa: {  	s9 =	sadd.s32 $0x200, s0;
	s22 =	sshll.u32 s2, $0xD;
	s23 =	sshll.u32 s11, $0xB  }
0xb: {  	s2 =	sshll.u32 s2, $0x14;
	s26 =	sshll.u32 s11, $0x12;
	s31 =	sshll.u32 s29, $0x10  }
0xc: {  	s7 =	sadd.s32 s15, s6;
	s6 =	sor.u32 s11, s6;
	s18 =	sshrl.u32 s10, $0x1  }
0xd: {  	s24 =	sor.u32 s23, s22;
	s2 =	sadd.s32 s2, s4;
	s15 =	simm.s32 $0x8  }
0xe: {  	s22 =	simm.s32 $0x1BB80;
	s23 =	simm.s32 $0x3;
	s8 =	sshll.u32 s7, $0xA  }
0xf: {  	s7 =	sshll.u32 s7, $0x8;
	s12 =	sshll.u32 s6, $0xB;
	s14 =	ssub.s32 s10, s18  }
0x10: {  	s20 =	sshll.u32 s6, $0xD;
	s10 =	sadd.s32 $0x300, s0;
	s2 =	sadd.s32 s26, s2  }
0x11: {  	s6 =	simm.s32 $0x4;
	s26 =	simm.s32 $0x9;
	s8 =	sadd.s32 s8, s1  }
0x12: {  	s1 =	sadd.s32 s7, s1;
	s12 =	sor.u32 s13, s12;
	s7 =	sadd.s32 s5, s7  }
0x13: {  	s25 =	smax.u32 s14, $0x1;
	s14 =	sadd.s32 s31, s2;
	s2 =	simm.s32 $0x0  }
0x14: {  	s8 =	sadd.s32 $0x800, s8;
	s19 =	sshrl.u32 s12, $0x3;
	[dreg:$0x6] =	wrdreg s7  }
0x15: {  	s1 =	sadd.s32 $0x2800, s1;
	s21 =	sshll.u32 s12, $0x7;
	[dreg:$0xa] =	wrdreg s25  }
0x16: {  	s7 =	simm.s32 $0x2;
	s25 =	simm.s32 $0x17B80;
	[dreg:$0x5] =	wrdreg s8  }
.Ltmp0:
0x17: {  	[dreg:$0x7] =	wrdreg s1;
	s19 =	sadd.s32 s5, s19;
	(pc) =	sbr.rel .LBB2_1-.Ltmp0, $4  }
0x18: {  	v0 =	vlaneseq.u32;
	v2 =	vimm.s32 $0x0;
	v3 =	vimm.s32 $0x1;
	s8 =	sadd.s32 $0x100, s0;
	s12 =	sadd.s32 s4, s21;
	s5 =	sor.u32 s13, s24  }
0x19: {  	vm0 =	vmxor vm0, vm0;
	vm1 =	vmmov $0xffff;
	v4 =	vmul.u32 $0xFFFFFFFF, v0;
	s13 =	smov.u32 s12;
	s5 =	sshll.u32 s5, $0x7;
	[dreg:$0x8] =	wrdreg s19  }
0x1a: {  	v5 =	vand.u32 $0x7, v0;
	v6 =	vshrl.u32 v0, $0x3;
	v7 =	vor.u32 $0x8, v0;
	s21 =	simm.s32 $0x7B80;
	s4 =	sadd.s32 s5, s4;
	[dreg:$0x9] =	wrdreg s13  }
0x1b: {  	v6 =	vmul.u32 $0x8, v6;
	v4 =	vadd.s32 $0xF, v4;
	v1 =	vmov s20;
	s24 =	simm.s32 $0x5;
	s12 =	simm.s32 $0x7;
	[dreg:$0xb] =	wrdreg s4  }
.LBB2_36:
0x1c: {  	s1 =	simm.s32 $0xC  }
0x1d: {  	_ =	swait.ge [sflag:s1], $0x4000  }
0x1e: {  	[sflag:s1] =	ssyncset.done $0x0  }
0x1f: {  	[sflag:s1] =	ssyncadd.s32 $0xFFFFC000  }
0x20: {  	_ =	swait.ge [sflag:s12], $0x4000  }
0x21: {  	[sflag:s12] =	ssyncset.done $0x0  }
0x22: {  	[sflag:s12] =	ssyncadd.s32 $0xFFFFC000  }
0x23: {  	_ =	swait.ge [sflag:s15], $0x4000  }
0x24: {  	s2 =	rddreg [dreg:$0xc]  }
0x25: {  	s31 =	rddreg [dreg:$0xa];
	s2 =	sadd.s32 $0x1, s2  }
0x26: {  	p1 =	sne.s32 s2, s31  }
.Ltmp1:
0x27: {  	_ = 	snop;
	(pc) =	sbr.rel @!p1 .LBB2_37-.Ltmp1, $3  }
0x28: {  	_ =	sdelay $0x1  }
0x29: {  	[sflag:s15] =	ssyncset.done $0x0  }
0x2a: {  	[sflag:s15] =	ssyncadd.s32 $0xFFFFC000  }
.LBB2_1:
.Ltmp2:
0x2b: {  	(pc) =	sbr.rel @p0 .LBB2_29-.Ltmp2, $2  }
0x2c: {  	_ =	sdelay $0x2  }
0x2d: {  	[dreg:$0xc] =	wrdreg s2  }
0x2e: {  	s1 =	simm.s32 $0x0;
	s2 =	rddreg [dreg:$0x5];
	s31 =	simm.s32 $0xD  }
0x2f: {  	[tilespmem:s1], [sflag:$0xD] =	stream.linear.gather [hbm4b:s2+s1], $0x2000, $0x38;
	[tilespmem:$0x1FB80] =	vst v63  }
0x30: {  	_ =	swait.ge [sflag:s31], $0x2000  }
0x31: {  	[sflag:s31] =	ssyncset.done $0x0  }
0x32: {  	s4 =	simm.s32 $0x0;
	s2 =	simm.s32 $0x40;
	[sflag:s31] =	ssyncadd.s32 $0xFFFFE000  }
.LBB2_3:
0x33: {  	p1 =	sne.s32 s2, $0x1FC0;
	[tilespmem:s4+$0x6080] =	vst v2;
	s4 =	smov.u32 s2;
	s2 =	sadd.s32 $0x40, s2  }
.Ltmp3:
0x34: {  	(pc) =	sbr.rel @p1 .LBB2_3-.Ltmp3, $2  }
0x35: {  	_ =	sdelay $0x2  }
0x36: {  	s4 =	sshra.s32 s4, $0x2  }
0x37: {  	[tilespmem:s4+$0x6080] =	vst v2;
	s4 =	simm.s32 $0x6080  }
.LBB2_5:
0x38: {  	s2 =	sshra.s32 s1, $0x2  }
0x39: {  	v8 =	vld [tilespmem:s2+$0x0];
	_ =	sdelay $0x4  }
0x3a: {  	v9 =	vshra.s32 v8, $0x1F  }
0x3b: {  	v9 =	vand.u32 $0x7FE00000, v9  }
0x3c: {  	v8 =	vxor.u32 v8, v9  }
0x3d: {  	v8 =	vshrl.u32 v8, $0x15  }
0x3e: {  	v8 =	vxor.u32 $0x400, v8;
	_ =	sdelay $0x4  }
0x3f: {  	[tilespmem:v8+s4+$0x0] =	vst.idx.add.s32.msk $0xffff, v3  }
0x40: {  	v8 =	vld [tilespmem:s2+$0x10];
	_ =	sdelay $0x4  }
0x41: {  	v63 =	vshra.s32 v8, $0x1F  }
0x42: {  	v9 =	vand.u32 $0x7FE00000, v63  }
0x43: {  	v8 =	vxor.u32 v8, v9  }
0x44: {  	v8 =	vshrl.u32 v8, $0x15  }
0x45: {  	p1 =	sne.s32 s1, $0x7F80;
	v8 =	vxor.u32 $0x400, v8  }
.Ltmp4:
0x46: {  	_ = 	snop;
	(pc) =	sbr.rel @p1 .LBB2_5-.Ltmp4, $2  }
0x47: {  	_ =	sdelay $0x2  }
0x48: {  	s1 =	sadd.s32 $0x80, s1;
	[tilespmem:v8+s4+$0x0] =	vst.idx.add.s32.msk $0xffff, v3  }
0x49: {  	s1 =	simm.s32 $0x6870  }
0x4a: {  	v8 =	vld [tilespmem:s1+$0x0];
	_ =	sdelay $0x4  }
0x4b: {  	v10 =	vperm.xlane v8, v4  }
0x4c: {  	s1 =	simm.s32 $0x6860  }
0x4d: {  	v9 =	vld [tilespmem:s1+$0x0];
	(xrf0) =	vadd.scan.msk.s32 $0xffff, v10;
	_ =	sdelay $0x4  }
0x4e: {  	v10 =	vperm.xlane v9, v4  }
0x4f: {  	v11, _, _ =	vpop (xrf0)  }
0x50: {  	(xrf0) =	vadd.scan.msk.s32 $0xffff, v10;
	v10 =	vperm.xlane v11, v4  }
0x51: {  	s2 =	simm.s32 $0x0  }
0x52: {  	v10 =	vadd.s32 s2, v10  }
0x53: {  	(v2sf) =	vpush v10, $0x0;
	_ =	sdelay $0xa  }
0x54: {  	v8 =	vsub.s32 v10, v8  }
0x55: {  	s31 =	simm.s32 $0x7F0;
	vm2 =	vgt.s32 v10, $0x7FF;
	vm3 =	vlt.s32 v8, $0x800  }
0x56: {  	v11 =	vimm.s32 $0xFFFFFFFF;
	v10 =	vor.u32 s31, v0;
	vm2 =	vmand vm2, vm3;
	v12, _, _ =	vpop (xrf0)  }
0x57: {  	s4 =	simm.s32 $0x7E0;
	s5 =	simm.s32 $0x7C0;
	s2 =	simm.s32 $0x7D0;
	v10 =	vsel vm2, v10, v11;
	v8 =	vsel vm2, v8, v11;
	v11 =	vperm.xlane v12, v4  }
.LBB2_7:
0x58: {  	p1 =	sne.s32 s5, $0x0;
	s11 =	spop (v2sf)  }
0x59: {  	s1 =	sadd.s32 $0xFFFFFFF0, s1;
	v11 =	vadd.s32 s11, v11  }
0x5a: {  	vm2 =	vgt.s32 v11, $0x7FF;
	v12 =	vsub.s32 v11, v9;
	v9 =	vld [tilespmem:s1+$0x0];
	(v2sf) =	vpush v11, $0x0  }
0x5b: {  	vm3 =	vlt.s32 v12, $0x800  }
0x5c: {  	v11 =	vor.u32 s4, v0;
	s4 =	smov.u32 s2;
	s2 =	smov.u32 s5;
	vm2 =	vmand vm2, vm3  }
0x5d: {  	v10 =	vsel vm2, v11, v10;
	v8 =	vsel vm2, v12, v8;
	_ =	sdelay $0x1  }
0x5e: {  	v11 =	vperm.xlane v9, v4;
	_ =	sdelay $0x1  }
0x5f: {  	(xrf0) =	vadd.scan.msk.s32 $0xffff, v11;
	_ =	sdelay $0x2  }
.Ltmp5:
0x60: {  	(pc) =	sbr.rel @p1 .LBB2_7-.Ltmp5, $3  }
0x61: {  	_ =	sdelay $0x1  }
0x62: {  	v11, _, _ =	vpop (xrf0)  }
0x63: {  	s5 =	sadd.s32 $0xFFFFFFF0, s5;
	v11 =	vperm.xlane v11, v4  }
0x64: {  	s5 =	spop (v2sf)  }
0x65: {  	s1 =	sadd.s32 $0xFFFFFFF0, s1;
	v11 =	vadd.s32 s5, v11  }
0x66: {  	v12 =	vld [tilespmem:s1+$0x0];
	(v2sf) =	vpush v11, $0x0;
	_ =	sdelay $0x4  }
0x67: {  	v13 =	vperm.xlane v12, v4;
	_ =	sdelay $0x1  }
0x68: {  	(xrf0) =	vadd.scan.msk.s32 $0xffff, v13;
	_ =	sdelay $0x5  }
0x69: {  	v13, _, _ =	vpop (xrf0)  }
0x6a: {  	v13 =	vperm.xlane v13, v4  }
0x6b: {  	s16 =	spop (v2sf)  }
0x6c: {  	v58 =	vor.u32 s4, v0;
	v14 =	vsub.s32 v11, v9;
	v9 =	vadd.s32 s16, v13  }
0x6d: {  	vm2 =	vgt.s32 v11, $0x7FF;
	vm3 =	vlt.s32 v14, $0x800;
	v11 =	vsub.s32 v9, v12  }
0x6e: {  	vm2 =	vmand vm2, vm3;
	vm3 =	vgt.s32 v9, $0x7FF;
	vm4 =	vlt.s32 v11, $0x800  }
0x6f: {  	v59 =	vor.u32 s2, v0;
	v10 =	vsel vm2, v58, v10;
	vm3 =	vmand vm3, vm4  }
0x70: {  	v10 =	vsel vm3, v59, v10  }
0x71: {  	v10 =	vxor.u32 $0x80000000, v10  }
0x72: {  	(xrf0) =	vmax.scan.msk.u32 $0xffff, v10;
	_ =	sdelay $0x5  }
0x73: {  	(v2sf) =	vpush v9, $0x0;
	v9, _, _ =	vpop (xrf0)  }
0x74: {  	(v2sf) =	vpush v9, $0xF;
	_ =	sdelay $0x6  }
0x75: {  	s18 =	simm.s32 $0x0  }
0x76: {  	v9 =	vld [tilespmem:s18+$0x0];
	_ =	sdelay $0x4  }
0x77: {  	v10 =	vshra.s32 v9, $0x1F  }
0x78: {  	s19 =	spop (v2sf);
	v10 =	vand.u32 $0x7FFFFFFF, v10  }
0x79: {  	v9 =	vxor.u32 v10, v9;
	s1 =	spop (v2sf)  }
0x7a: {  	v10 =	vxor.u32 $0x80000000, v9;
	s20 =	sxor.u32 $0x80000000, s1  }
0x7b: {  	v60 =	vshrl.u32 v10, $0x15;
	v9 =	vmov s20  }
0x7c: {  	s29 =	simm.s32 $0x0;
	vm14 =	veq.s32 v60, v9  }
0x7d: {  	[tilespmem:s29+$0x2000] =	vst.msk vm14, v10;
	v10 =	vmpcnt.ones.xlane vm14  }
0x7e: {  	v61 =	vld [tilespmem:s18+$0x10]  }
0x7f: {  	(v2sf) =	vpush v10, $0x0;
	_ =	sdelay $0x3  }
0x80: {  	v10 =	vshra.s32 v61, $0x1F  }
0x81: {  	v10 =	vand.u32 $0x7FFFFFFF, v10  }
0x82: {  	v10 =	vxor.u32 v10, v61  }
0x83: {  	v10 =	vxor.u32 $0x80000000, v10  }
0x84: {  	v62 =	vshrl.u32 v10, $0x15  }
0x85: {  	vm15 =	veq.s32 v62, v9  }
0x86: {  	v12 =	vmpcnt.ones.xlane vm15;
	_ =	sdelay $0x1  }
0x87: {  	(v2sf) =	vpush v12, $0x0;
	_ =	sdelay $0x2  }
0x88: {  	s31 =	spop (v2sf)  }
0x89: {  	s5 =	sadd.s32 $0x0, s31  }
0x8a: {  	s4 =	simm.s32 $0x20;
	[tilespmem:s5+$0x2000] =	vst.msk vm15, v10  }
0x8b: {  	v10 =	vld [tilespmem:s4+$0x0];
	_ =	sdelay $0x4  }
0x8c: {  	v63 =	vshra.s32 v10, $0x1F  }
0x8d: {  	v12 =	vand.u32 $0x7FFFFFFF, v63  }
0x8e: {  	v10 =	vxor.u32 v12, v10  }
0x8f: {  	v8 =	vsel vm2, v14, v8;
	v10 =	vxor.u32 $0x80000000, v10  }
0x90: {  	s2 =	simm.s32 $0x100;
	v8 =	vsel vm3, v11, v8;
	v11 =	vshrl.u32 v10, $0x15;
	s11 =	spop (v2sf)  }
.LBB2_9:
0x91: {  	p1 =	sne.s32 s2, $0x7F80  }
0x92: {  	vm2 =	veq.s32 v11, v9;
	s5 =	sadd.s32 s5, s11;
	s11 =	smov.u32 s2;
	s2 =	sadd.s32 $0x80, s2  }
0x93: {  	[tilespmem:s5+$0x2000] =	vst.msk vm2, v10;
	v10 =	vmpcnt.ones.xlane vm2  }
0x94: {  	v11 =	vld [tilespmem:s4+$0x10]  }
0x95: {  	(v2sf) =	vpush v10, $0x0;
	_ =	sdelay $0x3  }
0x96: {  	v10 =	vshra.s32 v11, $0x1F  }
0x97: {  	v10 =	vand.u32 $0x7FFFFFFF, v10  }
0x98: {  	v10 =	vxor.u32 v10, v11  }
0x99: {  	v10 =	vxor.u32 $0x80000000, v10  }
0x9a: {  	v11 =	vshrl.u32 v10, $0x15  }
0x9b: {  	vm2 =	veq.s32 v11, v9  }
0x9c: {  	v11 =	vmpcnt.ones.xlane vm2;
	_ =	sdelay $0x1  }
0x9d: {  	(v2sf) =	vpush v11, $0x0;
	_ =	sdelay $0x2  }
0x9e: {  	s4 =	spop (v2sf)  }
0x9f: {  	s5 =	sadd.s32 s5, s4  }
0xa0: {  	s4 =	sshra.s32 s11, $0x2;
	[tilespmem:s5+$0x2000] =	vst.msk vm2, v10  }
0xa1: {  	v10 =	vld [tilespmem:s4+$0x0];
	_ =	sdelay $0x4  }
.Ltmp6:
0xa2: {  	v11 =	vshra.s32 v10, $0x1F;
	(pc) =	sbr.rel @p1 .LBB2_9-.Ltmp6, $4  }
0xa3: {  	v11 =	vand.u32 $0x7FFFFFFF, v11  }
0xa4: {  	v10 =	vxor.u32 v11, v10  }
0xa5: {  	v10 =	vxor.u32 $0x80000000, v10  }
0xa6: {  	v11 =	vshrl.u32 v10, $0x15;
	s11 =	spop (v2sf)  }
0xa7: {  	vm2 =	veq.s32 v11, v9;
	s2 =	sadd.s32 s5, s11  }
0xa8: {  	[tilespmem:s2+$0x2000] =	vst.msk vm2, v10  }
0xa9: {  	v10 =	vld [tilespmem:s4+$0x10];
	_ =	sdelay $0x4  }
0xaa: {  	v61 =	vshra.s32 v10, $0x1F  }
0xab: {  	v8 =	vxor.u32 $0x80000000, v8;
	v11 =	vand.u32 $0x7FFFFFFF, v61  }
0xac: {  	(xrf0) =	vmax.scan.msk.u32 $0xffff, v8;
	v10 =	vxor.u32 v11, v10  }
0xad: {  	v8 =	vxor.u32 $0x80000000, v10  }
0xae: {  	v10 =	vshrl.u32 v8, $0x15  }
0xaf: {  	v62 =	vmpcnt.ones.xlane vm2;
	vm2 =	veq.s32 v10, v9  }
0xb0: {  	v9 =	vmpcnt.ones.xlane vm2  }
0xb1: {  	(v2sf) =	vpush v62, $0x0  }
0xb2: {  	v63, _, _ =	vpop (xrf0);
	(v2sf) =	vpush v9, $0x0  }
0xb3: {  	(v2sf) =	vpush v63, $0xF;
	_ =	sdelay $0xb  }
.Ltmp7:
0xb4: {  	_ = 	snop;
	(pc) =	sbr.rel .LBB2_11-.Ltmp7, $4  }
0xb5: {  	s18 =	spop (v2sf)  }
0xb6: {  	s29 =	sshll.u32 s1, $0x15;
	s19 =	spop (v2sf)  }
0xb7: {  	s31 =	simm.s32 $0xB;
	s11 =	sadd.s32 s2, s18;
	s20 =	spop (v2sf)  }
0xb8: {  	s1 =	simm.s32 $0x0;
	[tilespmem:s11+$0x2000] =	vst.msk vm2, v8;
	s4 =	sadd.s32 s11, s19;
	s2 =	sxor.u32 $0x80000000, s20  }
.LBB2_13:
0xb9: {  	s11 =	simm.s32 $0x0  }
.LBB2_18:
0xba: {  	_ =	sdelay $0x2  }
0xbb: {  	s13 =	sadd.s32 @p1 s16, s13  }
0xbc: {  	s4 =	smov.u32 @p1 s13  }
0xbd: {  	[tilespmem:v8+s4+$0x0 ss:$0x1] =	vst.idx.msk vm3, v12  }
0xbe: {  	[tilespmem:v9+s11+$0x0 ss:$0x1] =	vst.idx.msk vm2, v12  }
0xbf: {  	v12 =	vld [tilespmem:s20+$0x0];
	_ =	sdelay $0x4  }
0xc0: {  	v11 =	vshrl.u32 v12, v11  }
0xc1: {  	v15 =	vor.u32 s5, v0;
	v11 =	vand.u32 $0x1, v11  }
0xc2: {  	vm2 =	vlt.s32 v15, v10;
	vm3 =	veq.s32 v11, $0x1  }
0xc3: {  	vm3 =	vmand vm2, vm3  }
0xc4: {  	(v2sf) =	vpush v14, $0x0;
	vm2 =	vmxor vm2, vm3;
	v62 =	vmpcnt.ones.xlane vm3  }
0xc5: {  	(v2sf) =	vpush v13, $0x0;
	v63 =	vmpcnt.ones.xlane vm2  }
0xc6: {  	(v2sf) =	vpush v62, $0x0  }
0xc7: {  	(v2sf) =	vpush v63, $0x0;
	_ =	sdelay $0xb  }
0xc8: {  	s16 =	spop (v2sf)  }
0xc9: {  	s20 =	spop (v2sf)  }
0xca: {  	s4 =	sadd.s32 s4, s16;
	s5 =	spop (v2sf)  }
0xcb: {  	s16 =	sadd.s32 s11, s20;
	[tilespmem:v8+s4+$0x0 ss:$0x1] =	vst.idx.msk vm2, v12;
	s20 =	spop (v2sf)  }
0xcc: {  	[tilespmem:v9+s16+$0x0 ss:$0x1] =	vst.idx.msk vm3, v12;
	s13 =	sadd.s32 s16, s5;
	s5 =	sadd.s32 s4, s20  }
.LBB2_19:
0xcd: {  	s31 =	sadd.s32 $0x1, s31  }
0xce: {  	p2 =	sne.s32 s31, $0x20  }
.Ltmp8:
0xcf: {  	s11 =	sadd.s32 s2, s13;
	(pc) =	sbr.rel @!p2 .LBB2_20-.Ltmp8, $4  }
0xd0: {  	s4 =	simm.s32 $0x1;
	p1 =	sgt.s32 s11, $0x7FF  }
0xd1: {  	s4 =	simm.s32 @!p1 $0x0;
	s11 =	smov.u32 @p1 s2  }
0xd2: {  	s5 =	smov.u32 @p1 s13;
	s1 =	smov.u32 @p1 s18;
	s20 =	sshll.u32 s4, s19  }
0xd3: {  	s4 =	smov.u32 s5;
	s2 =	smov.u32 s11;
	s29 =	sor.u32 s29, s20  }
.LBB2_11:
0xd4: {  	s5 =	sadd.s32 $0x1F, s4  }
0xd5: {  	s11 =	sand.u32 $0x1F, s5  }
0xd6: {  	s13 =	sshra.s32 s5, $0x1F;
	p1 =	slt.s32 s5, $0x1;
	p2 =	sne.s32 s11, $0x0  }
0xd7: {  	s20 =	sshrl.u32 s13, $0x1B;
	p1 =	por !p1, !p2  }
0xd8: {  	s11 =	simm.s32 $0x1;
	s5 =	sadd.s32 s20, s5;
	p1 =	por !p1, !p1  }
0xd9: {  	s5 =	sshra.s32 s5, $0x5;
	s11 =	simm.s32 @!p1 $0x0  }
0xda: {  	s11 =	ssub.s32 s5, s11  }
0xdb: {  	p1 =	slt.s32 s11, $0x1  }
.Ltmp9:
0xdc: {  	_ = 	snop;
	(pc) =	sbr.rel @p1 .LBB2_19-.Ltmp9, $3  }
0xdd: {  	_ =	sdelay $0x1  }
0xde: {  	s19 =	sxor.u32 $0x1F, s31  }
0xdf: {  	s18 =	ssub.s32 $0x2000, s1;
	s13 =	simm.s32 $0x0;
	s5 =	simm.s32 $0x0  }
0xe0: {  	s5 =	sshll.u32 s1, $0x2  }
0xe1: {  	s5 =	sshra.s32 s5, $0x2  }
0xe2: {  	s20 =	sadd.s32 $0x2010, s5  }
0xe3: {  	v12 =	vld [tilespmem:s20+$0xFFFFFFF0];
	_ =	sdelay $0x3  }
0xe4: {  	v11 =	vmov s19  }
0xe5: {  	s13 =	simm.s32 $0x0;
	p2 =	sne.s32 s11, $0x1;
	v8 =	vshrl.u32 v12, v11  }
.Ltmp10:
0xe6: {  	v10 =	vmov s4;
	v9 =	vor.u32 s13, v0;
	v8 =	vand.u32 $0x1, v8;
	(pc) =	sbr.rel @!p2 .LBB2_13-.Ltmp10, $4  }
0xe7: {  	vm3 =	vlt.s32 v9, v10;
	vm2 =	veq.s32 v8, $0x1  }
0xe8: {  	s13 =	sadd.s32 $0x2000, s18;
	vm2 =	vmand vm3, vm2  }
0xe9: {  	s16 =	sadd.s32 $0x2000, s1;
	s4 =	simm.s32 $0x0;
	v9 =	vmov s13;
	vm3 =	vmxor vm3, vm2  }
0xea: {  	s11 =	sadd.s32 $0xFFFFFFFF, s11;
	p1 =	por $0x0, $0x0;
	s5 =	simm.s32 $0x10;
	v8 =	vmov s16;
	v13 =	vmpcnt.ones.xlane vm2;
	v14 =	vmpcnt.ones.xlane vm3  }
0xeb: {  	_ =	sdelay $0x4  }
0xec: {  	[tilespmem:v8+s4+$0x0 ss:$0x1] =	vst.idx.msk vm3, v12;
	(v2sf) =	vpush v14, $0x0  }
0xed: {  	[tilespmem:v9+s4+$0x0 ss:$0x1] =	vst.idx.msk vm2, v12;
	(v2sf) =	vpush v13, $0x0  }
0xee: {  	v12 =	vld [tilespmem:s20+$0x0];
	_ =	sdelay $0x4  }
0xef: {  	v13 =	vshrl.u32 v12, v11  }
0xf0: {  	v14 =	vor.u32 s5, v0;
	v13 =	vand.u32 $0x1, v13  }
0xf1: {  	vm2 =	vlt.s32 v14, v10;
	vm3 =	veq.s32 v13, $0x1  }
0xf2: {  	vm3 =	vmand vm2, vm3  }
0xf3: {  	vm2 =	vmxor vm2, vm3;
	v13 =	vmpcnt.ones.xlane vm3  }
0xf4: {  	v14 =	vmpcnt.ones.xlane vm2  }
0xf5: {  	(v2sf) =	vpush v13, $0x0  }
0xf6: {  	(v2sf) =	vpush v14, $0x0  }
0xf7: {  	s25 =	spop (v2sf)  }
0xf8: {  	s16 =	sadd.s32 $0x0, s25;
	s13 =	spop (v2sf)  }
0xf9: {  	s13 =	sadd.s32 $0x0, s13;
	[tilespmem:v8+s16+$0x0 ss:$0x1] =	vst.idx.msk vm2, v12  }
0xfa: {  	s20 =	sadd.s32 $0x20, s20;
	[tilespmem:v9+s13+$0x0 ss:$0x1] =	vst.idx.msk vm3, v12  }
0xfb: {  	v12 =	vld [tilespmem:s20+$0xFFFFFFF0];
	_ =	sdelay $0x4  }
0xfc: {  	p2 =	sne.s32 s11, $0x1;
	s25 =	simm.s32 $0x20;
	v13 =	vshrl.u32 v12, v11  }
.Ltmp11:
0xfd: {  	v14 =	vor.u32 s25, v0;
	v13 =	vand.u32 $0x1, v13;
	(pc) =	sbr.rel @!p2 .LBB2_15-.Ltmp11, $4  }
0xfe: {  	vm3 =	vlt.s32 v14, v10;
	vm2 =	veq.s32 v13, $0x1  }
0xff: {  	vm2 =	vmand vm3, vm2  }
0x100: {  	p1 =	por $0x1, $0x1;
	s25 =	sadd.s32 $0xFFFFFFFF, s11;
	s11 =	spop (v2sf);
	vm3 =	vmxor vm3, vm2  }
0x101: {  	s5 =	simm.s32 $0x30;
	v13 =	vmpcnt.ones.xlane vm2;
	s11 =	sadd.s32 s13, s11;
	s13 =	spop (v2sf);
	v14 =	vmpcnt.ones.xlane vm3  }
.LBB2_16:
0x102: {  	p2 =	sne.s32 s25, $0x1;
	s25 =	sadd.s32 $0xFFFFFFFF, s25;
	s13 =	sadd.s32 s16, s13  }
0x103: {  	(v2sf) =	vpush v14, $0x0;
	_ =	sdelay $0x2  }
0x104: {  	[tilespmem:v8+s13+$0x0 ss:$0x1] =	vst.idx.msk vm3, v12  }
0x105: {  	[tilespmem:v9+s11+$0x0 ss:$0x1] =	vst.idx.msk vm2, v12;
	(v2sf) =	vpush v13, $0x0  }
0x106: {  	v12 =	vld [tilespmem:s20+$0x0];
	_ =	sdelay $0x4  }
0x107: {  	v13 =	vshrl.u32 v12, v11  }
0x108: {  	v14 =	vor.u32 s5, v0;
	v13 =	vand.u32 $0x1, v13  }
0x109: {  	vm2 =	vlt.s32 v14, v10;
	vm3 =	veq.s32 v13, $0x1  }
0x10a: {  	vm3 =	vmand vm2, vm3  }
0x10b: {  	vm2 =	vmxor vm2, vm3;
	v13 =	vmpcnt.ones.xlane vm3  }
0x10c: {  	v14 =	vmpcnt.ones.xlane vm2;
	s16 =	spop (v2sf)  }
0x10d: {  	(v2sf) =	vpush v13, $0x0  }
0x10e: {  	(v2sf) =	vpush v14, $0x0;
	_ =	sdelay $0x1  }
0x10f: {  	s16 =	sadd.s32 s13, s16;
	s13 =	spop (v2sf)  }
0x110: {  	s11 =	sadd.s32 s11, s13;
	[tilespmem:v8+s16+$0x0 ss:$0x1] =	vst.idx.msk vm2, v12  }
0x111: {  	s20 =	sadd.s32 $0x20, s20;
	[tilespmem:v9+s11+$0x0 ss:$0x1] =	vst.idx.msk vm3, v12  }
0x112: {  	v12 =	vld [tilespmem:s20+$0xFFFFFFF0];
	_ =	sdelay $0x3  }
0x113: {  	s5 =	sadd.s32 $0x20, s5  }
0x114: {  	s13 =	sadd.s32 $0xFFFFFFF0, s5;
	v13 =	vshrl.u32 v12, v11  }
.Ltmp12:
0x115: {  	v14 =	vor.u32 s13, v0;
	v13 =	vand.u32 $0x1, v13;
	(pc) =	sbr.rel @p2 .LBB2_16-.Ltmp12, $4  }
0x116: {  	vm3 =	vlt.s32 v14, v10;
	vm2 =	veq.s32 v13, $0x1  }
0x117: {  	vm2 =	vmand vm3, vm2  }
0x118: {  	vm3 =	vmxor vm3, vm2;
	v13 =	vmpcnt.ones.xlane vm2;
	s13 =	spop (v2sf)  }
0x119: {  	v14 =	vmpcnt.ones.xlane vm3;
	s11 =	sadd.s32 s11, s13;
	s13 =	spop (v2sf)  }
.Ltmp13:
0x11a: {  	(pc) =	sbr.rel .LBB2_18-.Ltmp13, $2  }
0x11b: {  	_ =	sdelay $0x2  }
0x11c: {  	s25 =	simm.s32 $0x17B80  }
.LBB2_15:
.Ltmp14:
0x11d: {  	(pc) =	sbr.rel .LBB2_18-.Ltmp14, $2  }
0x11e: {  	_ =	sdelay $0x2  }
0x11f: {  	s25 =	simm.s32 $0x17B80  }
.LBB2_20:
.Ltmp15:
0x120: {  	(pc) =	sbr.rel .LBB2_21-.Ltmp15, $4  }
0x121: {  	_ = 	snop  }
0x122: {  	s4 =	sxor.u32 $0x80000000, s29  }
0x123: {  	s1 =	ssub.s32 $0x800, s11;
	s2 =	simm.s32 $0x0;
	s11 =	simm.s32 $0x0  }
0x124: {  	s5 =	simm.s32 $0x0;
	s19 =	rddreg [dreg:$0x8];
	v8 =	vmov s4;
	v9 =	vmov s1;
	s4 =	simm.s32 $0x10  }
.LBB2_26:
0x125: {  	p1 =	slt.s32 s16, s1;
	vm3 =	vmmov vm0  }
0x126: {  	vm3 =	vmneg @p1 vm3  }
.LBB2_27:
0x127: {  	vm4 =	vgt.s32 v10, v8;
	vm2 =	vmand vm2, vm3  }
0x128: {  	vm2 =	vmor vm4, vm2  }
0x129: {  	v10 =	vmpcnt.ones.xlane vm2;
	_ =	sdelay $0x1  }
0x12a: {  	(v2sf) =	vpush v10, $0x0;
	_ =	sdelay $0x7  }
0x12b: {  	s13 =	sadd.s32 $0x10, s2  }
0x12c: {  	s5 =	sadd.s32 s5, s18;
	v10 =	vor.u32 s13, v0  }
0x12d: {  	s2 =	sadd.s32 $0x20, s2;
	[tilespmem:s5+$0x6880] =	vst.msk vm2, v10  }
0x12e: {  	p1 =	sne.s32 s2, $0x2000;
	v10 =	vld [tilespmem:s4+$0x0]  }
.Ltmp16:
0x12f: {  	_ = 	snop;
	(pc) =	sbr.rel @!p1 .LBB2_28-.Ltmp16, $3  }
0x130: {  	_ =	sdelay $0x1  }
0x131: {  	s31 =	spop (v2sf)  }
0x132: {  	s4 =	sadd.s32 $0x20, s4;
	[tilespmem:s5+$0x7100] =	vst.msk vm2, v10;
	s5 =	sadd.s32 s5, s31  }
.LBB2_21:
0x133: {  	v10 =	vld [tilespmem:s4+$0xFFFFFFF0];
	_ =	sdelay $0x4  }
0x134: {  	v11 =	vshra.s32 v10, $0x1F  }
0x135: {  	v11 =	vand.u32 $0x7FFFFFFF, v11  }
0x136: {  	v10 =	vxor.u32 v10, v11  }
0x137: {  	vm2 =	veq.s32 v10, v8  }
0x138: {  	v11 =	vmpcnt.ones.xlane vm2;
	_ =	sdelay $0x1  }
0x139: {  	(v2sf) =	vpush v11, $0x0;
	_ =	sdelay $0xe  }
0x13a: {  	s13 =	spop (v2sf)  }
0x13b: {  	p1 =	sge.s32 s11, s1;
	s16 =	sadd.s32 s11, s13  }
0x13c: {  	p2 =	sge.s32 @!p1 s1, s16  }
0x13d: {  	p1 =	por p1, p2  }
.Ltmp17:
0x13e: {  	_ = 	snop;
	(pc) =	sbr.rel @p1 .LBB2_23-.Ltmp17, $1  }
0x13f: {  	_ =	sdelay $0x3  }
0x140: {  	v11 =	vsel vm2, $0x1, v2  }
0x141: {  	(xrf0) =	vadd.scan.msk.s32 $0xffff, v11;
	_ =	sdelay $0x3  }
.Ltmp18:
0x142: {  	_ = 	snop;
	(pc) =	sbr.rel .LBB2_24-.Ltmp18, $4  }
0x143: {  	v11 =	vsel vm2, $0xFFFFFFFF, v2  }
0x144: {  	v11 =	vadd.s32 s11, v11;
	v12, _, _ =	vpop (xrf0)  }
0x145: {  	v11 =	vadd.s32 v12, v11  }
0x146: {  	vm3 =	vlt.s32 v11, v9  }
.LBB2_23:
0x147: {  	p1 =	slt.s32 s11, s1;
	vm3 =	vmmov vm0  }
0x148: {  	vm3 =	vmneg @p1 vm3  }
.LBB2_24:
0x149: {  	vm4 =	vgt.s32 v10, v8;
	vm2 =	vmand vm2, vm3  }
0x14a: {  	v10 =	vor.u32 s2, v0;
	vm2 =	vmor vm4, vm2  }
0x14b: {  	[tilespmem:s5+$0x6880] =	vst.msk vm2, v10  }
0x14c: {  	v10 =	vld [tilespmem:s4+$0xFFFFFFF0];
	_ =	sdelay $0x4  }
0x14d: {  	[tilespmem:s5+$0x7100] =	vst.msk vm2, v10  }
0x14e: {  	v10 =	vld [tilespmem:s4+$0x0];
	_ =	sdelay $0x4  }
0x14f: {  	v11 =	vshra.s32 v10, $0x1F  }
0x150: {  	v11 =	vand.u32 $0x7FFFFFFF, v11  }
0x151: {  	v10 =	vxor.u32 v10, v11  }
0x152: {  	v11 =	vmpcnt.ones.xlane vm2;
	vm2 =	veq.s32 v10, v8  }
0x153: {  	v12 =	vmpcnt.ones.xlane vm2  }
0x154: {  	(v2sf) =	vpush v11, $0x0  }
0x155: {  	(v2sf) =	vpush v12, $0x0;
	_ =	sdelay $0xd  }
0x156: {  	s18 =	spop (v2sf)  }
0x157: {  	s11 =	spop (v2sf)  }
0x158: {  	p1 =	sge.s32 s16, s1;
	s11 =	sadd.s32 s16, s11  }
0x159: {  	p2 =	sge.s32 @!p1 s1, s11  }
0x15a: {  	p1 =	por p1, p2  }
.Ltmp19:
0x15b: {  	_ = 	snop;
	(pc) =	sbr.rel @p1 .LBB2_26-.Ltmp19, $1  }
0x15c: {  	_ =	sdelay $0x3  }
0x15d: {  	v11 =	vsel vm2, $0x1, v2  }
0x15e: {  	(xrf0) =	vadd.scan.msk.s32 $0xffff, v11;
	_ =	sdelay $0x3  }
.Ltmp20:
0x15f: {  	_ = 	snop;
	(pc) =	sbr.rel .LBB2_27-.Ltmp20, $4  }
0x160: {  	v11 =	vsel vm2, $0xFFFFFFFF, v2  }
0x161: {  	v11 =	vadd.s32 s16, v11;
	v12, _, _ =	vpop (xrf0)  }
0x162: {  	v11 =	vadd.s32 v12, v11  }
0x163: {  	vm3 =	vlt.s32 v11, v9  }
.LBB2_28:
0x164: {  	s1 =	rddreg [dreg:$0x6];
	s2 =	simm.s32 $0x6880;
	s29 =	simm.s32 $0xD  }
0x165: {  	[hbm4b:s1+s3] =	stream.linear.scatter [tilespmem:s2], [sflag:$0xD], $0x800, $0x38;
	[tilespmem:$0x1FB80] =	vst v63  }
0x166: {  	_ =	swait.ge [sflag:s29], $0x800  }
0x167: {  	[sflag:s29] =	ssyncset.done $0x0  }
0x168: {  	s4 =	simm.s32 $0x7100;
	s31 =	rddreg [dreg:$0x7];
	[sflag:s29] =	ssyncadd.s32 $0xFFFFF800  }
0x169: {  	[hbm4b:s31+s3] =	stream.linear.scatter [tilespmem:s4], [sflag:$0xD], $0x800, $0x38;
	[tilespmem:$0x1FB80] =	vst v63  }
0x16a: {  	_ =	swait.ge [sflag:s29], $0x800  }
0x16b: {  	[sflag:s29] =	ssyncset.done $0x0  }
0x16c: {  	s13 =	rddreg [dreg:$0x9];
	[sflag:s29] =	ssyncadd.s32 $0xFFFFF800  }
.LBB2_29:
0x16d: {  	[bflag:$0x0] =	sbarrier.arrive $0xFFFF  }
0x16e: {  	s1 =	simm.s32 $0x0;
	s2 =	simm.s32 $0x7980;
	s31 =	simm.s32 $0xD  }
0x16f: {  	[tilespmem:s2], [sflag:$0xD] =	stream.linear.gather [hbm4b:s19+s1], $0x200, $0x38;
	[tilespmem:$0x1FB80] =	vst v63  }
0x170: {  	_ =	swait.ge [sflag:s31], $0x200  }
0x171: {  	[sflag:s31] =	ssyncset.done $0x0  }
0x172: {  	s1 =	simm.s32 $0x0;
	s2 =	simm.s32 $0x40;
	[sflag:s31] =	ssyncadd.s32 $0xFFFFFE00  }
.LBB2_30:
0x173: {  	p1 =	sne.s32 s2, $0x7C0;
	v8 =	vld [tilespmem:s1+$0x7980];
	_ =	sdelay $0x1  }
.Ltmp21:
0x174: {  	(pc) =	sbr.rel @p1 .LBB2_30-.Ltmp21, $3  }
0x175: {  	_ =	sdelay $0x1  }
0x176: {  	v8 =	vadd.s32 v1, v8  }
0x177: {  	[tilespmem:s1+$0x7980] =	vst v8;
	s1 =	sshra.s32 s2, $0x2;
	s2 =	sadd.s32 $0x40, s2  }
0x178: {  	v8 =	vld [tilespmem:s1+$0x7980];
	_ =	sdelay $0x4  }
0x179: {  	v8 =	vadd.s32 v1, v8  }
0x17a: {  	[tilespmem:s1+$0x7980] =	vst v8  }
0x17b: {  	v8 =	vld [tilespmem:$0x7980];
	_ =	sdelay $0x4  }
0x17c: {  	v9 =	vshll.u32 v8, $0x3  }
0x17d: {  	v8 =	vand.u32 $0x7, v8;
	v9 =	vand.u32 $0xFFFFFFC0, v9  }
0x17e: {  	v8 =	vor.u32 v8, v9  }
0x17f: {  	v9 =	vperm.xlane v8, v5;
	_ =	sdelay $0x1  }
0x180: {  	v9 =	vadd.s32 v6, v9;
	_ =	sdelay $0x3  }
0x181: {  	s29 =	simm.s32 $0x0  }
0x182: {  	[tilespmem:s21], [sflag:$0x1] =	stream.indirect_vreg.gather [hbm4b:s0+s29], $0x80, v9, vm1, $0xb8;
	[tilespmem:$0x1FB80] =	vst v63  }
0x183: {  	s20 =	simm.s32 $0x8380;
	v8 =	vperm.xlane v8, v7  }
0x184: {  	[tilespmem:s20], [sflag:$0x1] =	stream.indirect_vreg.gather [hbm4b:s8+s29], $0x80, v9, vm1, $0xb8;
	[tilespmem:$0x1FB80] =	vst v63  }
0x185: {  	s2 =	simm.s32 $0x8B80;
	v8 =	vadd.s32 v6, v8  }
0x186: {  	[tilespmem:s2], [sflag:$0x1] =	stream.indirect_vreg.gather [hbm4b:s9+s29], $0x80, v9, vm1, $0xb8;
	[tilespmem:$0x1FB80] =	vst v63  }
0x187: {  	s4 =	simm.s32 $0x9380  }
0x188: {  	[tilespmem:s4], [sflag:$0x1] =	stream.indirect_vreg.gather [hbm4b:s10+s29], $0x80, v9, vm1, $0xb8;
	[tilespmem:$0x1FB80] =	vst v63  }
0x189: {  	s5 =	simm.s32 $0x9B80  }
0x18a: {  	[tilespmem:s5], [sflag:$0x1] =	stream.indirect_vreg.gather [hbm4b:s0+s29], $0x80, v8, vm1, $0xb8;
	[tilespmem:$0x1FB80] =	vst v63  }
0x18b: {  	s11 =	simm.s32 $0xA380  }
0x18c: {  	[tilespmem:s11], [sflag:$0x1] =	stream.indirect_vreg.gather [hbm4b:s8+s29], $0x80, v8, vm1, $0xb8;
	[tilespmem:$0x1FB80] =	vst v63  }
0x18d: {  	s16 =	simm.s32 $0xAB80  }
0x18e: {  	[tilespmem:s16], [sflag:$0x1] =	stream.indirect_vreg.gather [hbm4b:s9+s29], $0x80, v8, vm1, $0xb8;
	[tilespmem:$0x1FB80] =	vst v63  }
0x18f: {  	s18 =	simm.s32 $0xB380  }
0x190: {  	[tilespmem:s18], [sflag:$0x1] =	stream.indirect_vreg.gather [hbm4b:s10+s29], $0x80, v8, vm1, $0xb8;
	[tilespmem:$0x1FB80] =	vst v63  }
0x191: {  	v8 =	vld [tilespmem:$0x7990];
	_ =	sdelay $0x4  }
0x192: {  	v62 =	vshll.u32 v8, $0x3  }
0x193: {  	v8 =	vand.u32 $0x7, v8;
	v9 =	vand.u32 $0xFFFFFFC0, v62  }
0x194: {  	v8 =	vor.u32 v8, v9  }
0x195: {  	v9 =	vperm.xlane v8, v5;
	_ =	sdelay $0x1  }
0x196: {  	v9 =	vadd.s32 v6, v9;
	_ =	sdelay $0x4  }
0x197: {  	[tilespmem:s30], [sflag:$0x2] =	stream.indirect_vreg.gather [hbm4b:s0+s29], $0x80, v9, vm1, $0xb8;
	[tilespmem:$0x1FB80] =	vst v63  }
0x198: {  	s20 =	simm.s32 $0xC380;
	v8 =	vperm.xlane v8, v7  }
0x199: {  	[tilespmem:s20], [sflag:$0x2] =	stream.indirect_vreg.gather [hbm4b:s8+s29], $0x80, v9, vm1, $0xb8;
	[tilespmem:$0x1FB80] =	vst v63  }
0x19a: {  	s2 =	simm.s32 $0xCB80;
	v8 =	vadd.s32 v6, v8  }
0x19b: {  	[tilespmem:s2], [sflag:$0x2] =	stream.indirect_vreg.gather [hbm4b:s9+s29], $0x80, v9, vm1, $0xb8;
	[tilespmem:$0x1FB80] =	vst v63  }
0x19c: {  	s4 =	simm.s32 $0xD380  }
0x19d: {  	[tilespmem:s4], [sflag:$0x2] =	stream.indirect_vreg.gather [hbm4b:s10+s29], $0x80, v9, vm1, $0xb8;
	[tilespmem:$0x1FB80] =	vst v63  }
0x19e: {  	s5 =	simm.s32 $0xDB80  }
0x19f: {  	[tilespmem:s5], [sflag:$0x2] =	stream.indirect_vreg.gather [hbm4b:s0+s29], $0x80, v8, vm1, $0xb8;
	[tilespmem:$0x1FB80] =	vst v63  }
0x1a0: {  	s11 =	simm.s32 $0xE380  }
0x1a1: {  	[tilespmem:s11], [sflag:$0x2] =	stream.indirect_vreg.gather [hbm4b:s8+s29], $0x80, v8, vm1, $0xb8;
	[tilespmem:$0x1FB80] =	vst v63  }
0x1a2: {  	s16 =	simm.s32 $0xEB80  }
0x1a3: {  	[tilespmem:s16], [sflag:$0x2] =	stream.indirect_vreg.gather [hbm4b:s9+s29], $0x80, v8, vm1, $0xb8;
	[tilespmem:$0x1FB80] =	vst v63  }
0x1a4: {  	s18 =	simm.s32 $0xF380  }
0x1a5: {  	[tilespmem:s18], [sflag:$0x2] =	stream.indirect_vreg.gather [hbm4b:s10+s29], $0x80, v8, vm1, $0xb8;
	[tilespmem:$0x1FB80] =	vst v63  }
0x1a6: {  	v8 =	vld [tilespmem:$0x79A0];
	_ =	sdelay $0x4  }
0x1a7: {  	v63 =	vshll.u32 v8, $0x3  }
0x1a8: {  	v8 =	vand.u32 $0x7, v8;
	v9 =	vand.u32 $0xFFFFFFC0, v63  }
0x1a9: {  	v8 =	vor.u32 v8, v9  }
0x1aa: {  	v9 =	vperm.xlane v8, v5;
	_ =	sdelay $0x1  }
0x1ab: {  	v9 =	vadd.s32 v6, v9;
	_ =	sdelay $0x3  }
0x1ac: {  	s20 =	simm.s32 $0xFB80  }
0x1ad: {  	[tilespmem:s20], [sflag:$0x3] =	stream.indirect_vreg.gather [hbm4b:s0+s29], $0x80, v9, vm1, $0xb8;
	[tilespmem:$0x1FB80] =	vst v63  }
0x1ae: {  	s2 =	simm.s32 $0x10380;
	v8 =	vperm.xlane v8, v7  }
0x1af: {  	[tilespmem:s2], [sflag:$0x3] =	stream.indirect_vreg.gather [hbm4b:s8+s29], $0x80, v9, vm1, $0xb8;
	[tilespmem:$0x1FB80] =	vst v63  }
0x1b0: {  	s4 =	simm.s32 $0x10B80;
	v8 =	vadd.s32 v6, v8  }
0x1b1: {  	[tilespmem:s4], [sflag:$0x3] =	stream.indirect_vreg.gather [hbm4b:s9+s29], $0x80, v9, vm1, $0xb8;
	[tilespmem:$0x1FB80] =	vst v63  }
0x1b2: {  	s5 =	simm.s32 $0x11380  }
0x1b3: {  	[tilespmem:s5], [sflag:$0x3] =	stream.indirect_vreg.gather [hbm4b:s10+s29], $0x80, v9, vm1, $0xb8;
	[tilespmem:$0x1FB80] =	vst v63  }
0x1b4: {  	s11 =	simm.s32 $0x11B80  }
0x1b5: {  	[tilespmem:s11], [sflag:$0x3] =	stream.indirect_vreg.gather [hbm4b:s0+s29], $0x80, v8, vm1, $0xb8;
	[tilespmem:$0x1FB80] =	vst v63  }
0x1b6: {  	s16 =	simm.s32 $0x12380  }
0x1b7: {  	[tilespmem:s16], [sflag:$0x3] =	stream.indirect_vreg.gather [hbm4b:s8+s29], $0x80, v8, vm1, $0xb8;
	[tilespmem:$0x1FB80] =	vst v63  }
0x1b8: {  	s31 =	simm.s32 $0x0;
	s18 =	simm.s32 $0x12B80  }
0x1b9: {  	[tilespmem:s18], [sflag:$0x3] =	stream.indirect_vreg.gather [hbm4b:s9+s29], $0x80, v8, vm1, $0xb8;
	[tilespmem:$0x1FB80] =	vst v63  }
0x1ba: {  	s1 =	simm.s32 $0x4;
	s20 =	simm.s32 $0x13380;
	s2 =	simm.s32 $0x79D0  }
0x1bb: {  	[tilespmem:s20], [sflag:$0x3] =	stream.indirect_vreg.gather [hbm4b:s10+s29], $0x80, v8, vm1, $0xb8;
	[tilespmem:$0x1FB80] =	vst v63  }
.LBB2_32:
0x1bc: {  	s4 =	sadd.s32 $0xFFFFFFF9, s1  }
0x1bd: {  	p1 =	sgt.u32 s4, $0x1C  }
0x1be: {  	s4 =	simm.s32 @!p1 $0xA  }
0x1bf: {  	_ =	swait.ge @!p1 [sflag:s4], $0x4000  }
0x1c0: {  	[sflag:s4] =	ssyncset.done @!p1 $0x0  }
0x1c1: {  	[sflag:s4] =	ssyncadd.s32 @!p1 $0xFFFFC000;
	p1 =	seq.s32 s29, $0xF000  }
0x1c2: {  	v8 =	vld @!p1 [tilespmem:s2+$0xFFFFFFE0];
	_ =	sdelay $0x4  }
0x1c3: {  	v9 =	vshll.u32 @!p1 v8, $0x3  }
0x1c4: {  	v10 =	vlaneseq.u32 @!p1;
	v8 =	vand.u32 @!p1 $0x7, v8;
	v9 =	vand.u32 @!p1 $0xFFFFFFC0, v9  }
0x1c5: {  	v11 =	vshrl.u32 @!p1 v10, $0x3;
	v8 =	vor.u32 @!p1 v8, v9;
	v9 =	vand.u32 @!p1 $0x7, v10  }
0x1c6: {  	v11 =	vmul.u32 @!p1 $0x8, v11;
	v9 =	vperm.xlane @!p1 v8, v9;
	_ =	sdelay $0x1  }
0x1c7: {  	v9 =	vadd.s32 @!p1 v11, v9;
	_ =	sdelay $0x3  }
0x1c8: {  	vm2 =	vmmov @!p1 $0xffff;
	s4 =	simm.s32 @!p1 $0x0;
	s5 =	simm.s32 @!p1 $0x13B80  }
0x1c9: {  	v10 =	vor.u32 @!p1 $0x8, v10;
	[tilespmem:s5], [sflag:$0x4] =	stream.indirect_vreg.gather @!p1 [hbm4b:s0+s4], $0x80, v9, vm2, $0xb8;
	[tilespmem:$0x1FB80] =	vst v63  }
0x1ca: {  	v8 =	vperm.xlane @!p1 v8, v10;
	s5 =	simm.s32 @!p1 $0x14380  }
0x1cb: {  	[tilespmem:s5], [sflag:$0x4] =	stream.indirect_vreg.gather @!p1 [hbm4b:s8+s4], $0x80, v9, vm2, $0xb8;
	[tilespmem:$0x1FB80] =	vst v63  }
0x1cc: {  	v8 =	vadd.s32 @!p1 v11, v8;
	s5 =	simm.s32 @!p1 $0x14B80  }
0x1cd: {  	[tilespmem:s5], [sflag:$0x4] =	stream.indirect_vreg.gather @!p1 [hbm4b:s9+s4], $0x80, v9, vm2, $0xb8;
	[tilespmem:$0x1FB80] =	vst v63  }
0x1ce: {  	s5 =	simm.s32 @!p1 $0x15380  }
0x1cf: {  	[tilespmem:s5], [sflag:$0x4] =	stream.indirect_vreg.gather @!p1 [hbm4b:s10+s4], $0x80, v9, vm2, $0xb8;
	[tilespmem:$0x1FB80] =	vst v63  }
0x1d0: {  	s5 =	simm.s32 @!p1 $0x15B80  }
0x1d1: {  	[tilespmem:s5], [sflag:$0x4] =	stream.indirect_vreg.gather @!p1 [hbm4b:s0+s4], $0x80, v8, vm2, $0xb8;
	[tilespmem:$0x1FB80] =	vst v63  }
0x1d2: {  	s5 =	simm.s32 @!p1 $0x16380  }
0x1d3: {  	[tilespmem:s5], [sflag:$0x4] =	stream.indirect_vreg.gather @!p1 [hbm4b:s8+s4], $0x80, v8, vm2, $0xb8;
	[tilespmem:$0x1FB80] =	vst v63  }
0x1d4: {  	s5 =	simm.s32 @!p1 $0x16B80  }
0x1d5: {  	[tilespmem:s5], [sflag:$0x4] =	stream.indirect_vreg.gather @!p1 [hbm4b:s9+s4], $0x80, v8, vm2, $0xb8;
	[tilespmem:$0x1FB80] =	vst v63  }
0x1d6: {  	p2 =	seq.s32 s29, $0x0;
	s5 =	simm.s32 @!p1 $0x17380  }
0x1d7: {  	[tilespmem:s5], [sflag:$0x4] =	stream.indirect_vreg.gather @!p1 [hbm4b:s10+s4], $0x80, v8, vm2, $0xb8;
	[tilespmem:$0x1FB80] =	vst v63  }
0x1d8: {  	p3 =	seq.s32 @!p2 s29, $0xF000;
	_ =	swait.ge [sflag:s17], $0x4000  }
0x1d9: {  	s18 =	sadd.s32 s29, s14;
	p3 =	por p2, !p3;
	[sflag:s17] =	ssyncset.done $0x0  }
.Ltmp22:
0x1da: {  	s4 =	simm.s32 @!p2 $0xB;
	[sflag:s17] =	ssyncadd.s32 $0xFFFFC000;
	(pc) =	sbr.rel @!p3 .LBB2_34-.Ltmp22, $4  }
0x1db: {  	[hbm4b:s18+s3] =	stream.linear.scatter [tilespmem:s21], [sflag:$0x7], $0x4000, $0x38;
	[tilespmem:$0x1FB80] =	vst v63  }
0x1dc: {  	_ =	swait.ge @!p2 [sflag:s4], $0x4000  }
0x1dd: {  	[sflag:s4] =	ssyncset.done @!p2 $0x0  }
0x1de: {  	[sflag:s4] =	ssyncadd.s32 @!p2 $0xFFFFC000;
	s4 =	smov.u32 s1  }
0x1df: {  	s4 =	smov.u32 s1  }
0x1e0: {  	s4 =	simm.s32 @p2 $0x4  }
0x1e1: {  	s5 =	sshll.u32 s4, $0x4  }
0x1e2: {  	s5 =	sand.u32 $0x3FFFFFF0, s5  }
0x1e3: {  	v8 =	vld [tilespmem:s5+$0x7980];
	_ =	sdelay $0x4  }
0x1e4: {  	v9 =	vshll.u32 v8, $0x3  }
0x1e5: {  	v8 =	vand.u32 $0x7, v8;
	v9 =	vand.u32 $0xFFFFFFC0, v9  }
0x1e6: {  	v8 =	vor.u32 v8, v9  }
0x1e7: {  	v9 =	vperm.xlane v8, v5;
	_ =	sdelay $0x1  }
0x1e8: {  	v9 =	vadd.s32 v6, v9;
	_ =	sdelay $0x4  }
0x1e9: {  	[tilespmem:s25], [sflag:$0x5] =	stream.indirect_vreg.gather [hbm4b:s0+s3], $0x80, v9, vm1, $0xb8;
	[tilespmem:$0x1FB80] =	vst v63  }
0x1ea: {  	s20 =	simm.s32 $0x18380;
	v8 =	vperm.xlane v8, v7  }
0x1eb: {  	[tilespmem:s20], [sflag:$0x5] =	stream.indirect_vreg.gather [hbm4b:s8+s3], $0x80, v9, vm1, $0xb8;
	[tilespmem:$0x1FB80] =	vst v63  }
0x1ec: {  	s11 =	simm.s32 $0x18B80;
	v8 =	vadd.s32 v6, v8  }
0x1ed: {  	[tilespmem:s11], [sflag:$0x5] =	stream.indirect_vreg.gather [hbm4b:s9+s3], $0x80, v9, vm1, $0xb8;
	[tilespmem:$0x1FB80] =	vst v63  }
0x1ee: {  	s16 =	simm.s32 $0x19380  }
0x1ef: {  	[tilespmem:s16], [sflag:$0x5] =	stream.indirect_vreg.gather [hbm4b:s10+s3], $0x80, v9, vm1, $0xb8;
	[tilespmem:$0x1FB80] =	vst v63  }
0x1f0: {  	s20 =	simm.s32 $0x19B80  }
0x1f1: {  	[tilespmem:s20], [sflag:$0x5] =	stream.indirect_vreg.gather [hbm4b:s0+s3], $0x80, v8, vm1, $0xb8;
	[tilespmem:$0x1FB80] =	vst v63  }
0x1f2: {  	s11 =	simm.s32 $0x1A380  }
0x1f3: {  	[tilespmem:s11], [sflag:$0x5] =	stream.indirect_vreg.gather [hbm4b:s8+s3], $0x80, v8, vm1, $0xb8;
	[tilespmem:$0x1FB80] =	vst v63  }
0x1f4: {  	s16 =	simm.s32 $0x1AB80  }
0x1f5: {  	[tilespmem:s16], [sflag:$0x5] =	stream.indirect_vreg.gather [hbm4b:s9+s3], $0x80, v8, vm1, $0xb8;
	[tilespmem:$0x1FB80] =	vst v63  }
0x1f6: {  	s20 =	simm.s32 $0x1B380  }
0x1f7: {  	[tilespmem:s20], [sflag:$0x5] =	stream.indirect_vreg.gather [hbm4b:s10+s3], $0x80, v8, vm1, $0xb8;
	[tilespmem:$0x1FB80] =	vst v63  }
.LBB2_34:
0x1f8: {  	_ =	swait.ge [sflag:s7], $0x4000  }
0x1f9: {  	s5 =	rddreg [dreg:$0xb]  }
0x1fa: {  	[sflag:s7] =	ssyncset.done $0x0;
	s5 =	sadd.s32 s29, s5  }
0x1fb: {  	s20 =	sadd.s32 $0xFFFFFFFB, s1;
	[sflag:s7] =	ssyncadd.s32 $0xFFFFC000;
	s11 =	sadd.s32 $0x800, s5  }
0x1fc: {  	[hbm4b:s11+s3] =	stream.linear.scatter [tilespmem:s30], [sflag:$0x8], $0x4000, $0x38;
	[tilespmem:$0x1FB80] =	vst v63  }
.Ltmp23:
0x1fd: {  	p2 =	sgt.u32 s20, $0x1C;
	(pc) =	sbr.rel @p1 .LBB2_36-.Ltmp23, $4  }
0x1fe: {  	s11 =	simm.s32 @!p2 $0xC  }
0x1ff: {  	_ =	swait.ge @!p2 [sflag:s11], $0x4000  }
0x200: {  	[sflag:s11] =	ssyncset.done @!p2 $0x0  }
0x201: {  	[sflag:s11] =	ssyncadd.s32 @!p2 $0xFFFFC000  }
0x202: {  	v8 =	vld [tilespmem:s2+$0x0];
	_ =	sdelay $0x4  }
0x203: {  	v9 =	vshll.u32 v8, $0x3  }
0x204: {  	v8 =	vand.u32 $0x7, v8;
	v9 =	vand.u32 $0xFFFFFFC0, v9  }
0x205: {  	v8 =	vor.u32 v8, v9  }
0x206: {  	v9 =	vperm.xlane v8, v5;
	_ =	sdelay $0x1  }
0x207: {  	v9 =	vadd.s32 v6, v9;
	_ =	sdelay $0x4  }
0x208: {  	[tilespmem:s22], [sflag:$0x6] =	stream.indirect_vreg.gather [hbm4b:s0+s3], $0x80, v9, vm1, $0xb8;
	[tilespmem:$0x1FB80] =	vst v63  }
0x209: {  	s11 =	simm.s32 $0x1C380;
	v8 =	vperm.xlane v8, v7  }
0x20a: {  	[tilespmem:s11], [sflag:$0x6] =	stream.indirect_vreg.gather [hbm4b:s8+s3], $0x80, v9, vm1, $0xb8;
	[tilespmem:$0x1FB80] =	vst v63  }
0x20b: {  	s20 =	simm.s32 $0x1CB80;
	v8 =	vadd.s32 v6, v8  }
0x20c: {  	[tilespmem:s20], [sflag:$0x6] =	stream.indirect_vreg.gather [hbm4b:s9+s3], $0x80, v9, vm1, $0xb8;
	[tilespmem:$0x1FB80] =	vst v63  }
0x20d: {  	s16 =	simm.s32 $0x1D380  }
0x20e: {  	[tilespmem:s16], [sflag:$0x6] =	stream.indirect_vreg.gather [hbm4b:s10+s3], $0x80, v9, vm1, $0xb8;
	[tilespmem:$0x1FB80] =	vst v63  }
0x20f: {  	s20 =	simm.s32 $0x1DB80  }
0x210: {  	[tilespmem:s20], [sflag:$0x6] =	stream.indirect_vreg.gather [hbm4b:s0+s3], $0x80, v8, vm1, $0xb8;
	[tilespmem:$0x1FB80] =	vst v63  }
0x211: {  	s16 =	simm.s32 $0x1E380  }
0x212: {  	[tilespmem:s16], [sflag:$0x6] =	stream.indirect_vreg.gather [hbm4b:s8+s3], $0x80, v8, vm1, $0xb8;
	[tilespmem:$0x1FB80] =	vst v63  }
0x213: {  	s20 =	simm.s32 $0x1EB80  }
0x214: {  	[tilespmem:s20], [sflag:$0x6] =	stream.indirect_vreg.gather [hbm4b:s9+s3], $0x80, v8, vm1, $0xb8;
	[tilespmem:$0x1FB80] =	vst v63  }
0x215: {  	s16 =	simm.s32 $0x1F380  }
0x216: {  	[tilespmem:s16], [sflag:$0x6] =	stream.indirect_vreg.gather [hbm4b:s10+s3], $0x80, v8, vm1, $0xb8;
	[tilespmem:$0x1FB80] =	vst v63  }
0x217: {  	_ =	swait.ge [sflag:s23], $0x4000  }
0x218: {  	[sflag:s23] =	ssyncset.done $0x0  }
0x219: {  	s5 =	sadd.s32 $0x1000, s5;
	s20 =	simm.s32 $0xFB80;
	[sflag:s23] =	ssyncadd.s32 $0xFFFFC000  }
0x21a: {  	[hbm4b:s5+s3] =	stream.linear.scatter [tilespmem:s20], [sflag:$0x9], $0x4000, $0x38;
	[tilespmem:$0x1FB80] =	vst v63  }
0x21b: {  	_ =	swait.ge [sflag:s12], $0x4000  }
0x21c: {  	[sflag:s12] =	ssyncset.done $0x0  }
0x21d: {  	[sflag:s12] =	ssyncadd.s32 $0xFFFFC000  }
0x21e: {  	v8 =	vld [tilespmem:s2+$0x10];
	_ =	sdelay $0x4  }
0x21f: {  	v62 =	vshll.u32 v8, $0x3  }
0x220: {  	v8 =	vand.u32 $0x7, v8;
	v9 =	vand.u32 $0xFFFFFFC0, v62  }
0x221: {  	v8 =	vor.u32 v8, v9  }
0x222: {  	v9 =	vperm.xlane v8, v5;
	_ =	sdelay $0x1  }
0x223: {  	v9 =	vadd.s32 v6, v9;
	_ =	sdelay $0x4  }
0x224: {  	[tilespmem:s21], [sflag:$0x1] =	stream.indirect_vreg.gather [hbm4b:s0+s3], $0x80, v9, vm1, $0xb8;
	[tilespmem:$0x1FB80] =	vst v63  }
0x225: {  	s11 =	simm.s32 $0x8380;
	v8 =	vperm.xlane v8, v7  }
0x226: {  	[tilespmem:s11], [sflag:$0x1] =	stream.indirect_vreg.gather [hbm4b:s8+s3], $0x80, v9, vm1, $0xb8;
	[tilespmem:$0x1FB80] =	vst v63  }
0x227: {  	s16 =	simm.s32 $0x8B80;
	v8 =	vadd.s32 v6, v8  }
0x228: {  	[tilespmem:s16], [sflag:$0x1] =	stream.indirect_vreg.gather [hbm4b:s9+s3], $0x80, v9, vm1, $0xb8;
	[tilespmem:$0x1FB80] =	vst v63  }
0x229: {  	s20 =	simm.s32 $0x9380  }
0x22a: {  	[tilespmem:s20], [sflag:$0x1] =	stream.indirect_vreg.gather [hbm4b:s10+s3], $0x80, v9, vm1, $0xb8;
	[tilespmem:$0x1FB80] =	vst v63  }
0x22b: {  	s11 =	simm.s32 $0x9B80  }
0x22c: {  	[tilespmem:s11], [sflag:$0x1] =	stream.indirect_vreg.gather [hbm4b:s0+s3], $0x80, v8, vm1, $0xb8;
	[tilespmem:$0x1FB80] =	vst v63  }
0x22d: {  	s16 =	simm.s32 $0xA380  }
0x22e: {  	[tilespmem:s16], [sflag:$0x1] =	stream.indirect_vreg.gather [hbm4b:s8+s3], $0x80, v8, vm1, $0xb8;
	[tilespmem:$0x1FB80] =	vst v63  }
0x22f: {  	s20 =	simm.s32 $0xAB80  }
0x230: {  	[tilespmem:s20], [sflag:$0x1] =	stream.indirect_vreg.gather [hbm4b:s9+s3], $0x80, v8, vm1, $0xb8;
	[tilespmem:$0x1FB80] =	vst v63  }
0x231: {  	s11 =	simm.s32 $0xB380  }
0x232: {  	[tilespmem:s11], [sflag:$0x1] =	stream.indirect_vreg.gather [hbm4b:s10+s3], $0x80, v8, vm1, $0xb8;
	[tilespmem:$0x1FB80] =	vst v63  }
0x233: {  	_ =	swait.ge [sflag:s6], $0x4000  }
0x234: {  	[sflag:s6] =	ssyncset.done $0x0  }
0x235: {  	s16 =	sadd.s32 $0x1800, s18;
	s20 =	simm.s32 $0x13B80;
	[sflag:s6] =	ssyncadd.s32 $0xFFFFC000  }
0x236: {  	[hbm4b:s16+s3] =	stream.linear.scatter [tilespmem:s20], [sflag:$0xA], $0x4000, $0x38;
	[tilespmem:$0x1FB80] =	vst v63  }
0x237: {  	_ =	swait.ge [sflag:s15], $0x4000  }
0x238: {  	[sflag:s15] =	ssyncset.done $0x0  }
0x239: {  	[sflag:s15] =	ssyncadd.s32 $0xFFFFC000  }
0x23a: {  	v8 =	vld [tilespmem:s2+$0x20];
	_ =	sdelay $0x4  }
0x23b: {  	v63 =	vshll.u32 v8, $0x3  }
0x23c: {  	v8 =	vand.u32 $0x7, v8;
	v9 =	vand.u32 $0xFFFFFFC0, v63  }
0x23d: {  	v8 =	vor.u32 v8, v9  }
0x23e: {  	v9 =	vperm.xlane v8, v5;
	_ =	sdelay $0x1  }
0x23f: {  	v9 =	vadd.s32 v6, v9;
	_ =	sdelay $0x4  }
0x240: {  	[tilespmem:s30], [sflag:$0x2] =	stream.indirect_vreg.gather [hbm4b:s0+s3], $0x80, v9, vm1, $0xb8;
	[tilespmem:$0x1FB80] =	vst v63  }
0x241: {  	s16 =	simm.s32 $0xC380;
	v8 =	vperm.xlane v8, v7  }
0x242: {  	[tilespmem:s16], [sflag:$0x2] =	stream.indirect_vreg.gather [hbm4b:s8+s3], $0x80, v9, vm1, $0xb8;
	[tilespmem:$0x1FB80] =	vst v63  }
0x243: {  	s20 =	simm.s32 $0xCB80;
	v8 =	vadd.s32 v6, v8  }
0x244: {  	[tilespmem:s20], [sflag:$0x2] =	stream.indirect_vreg.gather [hbm4b:s9+s3], $0x80, v9, vm1, $0xb8;
	[tilespmem:$0x1FB80] =	vst v63  }
0x245: {  	s11 =	simm.s32 $0xD380  }
0x246: {  	[tilespmem:s11], [sflag:$0x2] =	stream.indirect_vreg.gather [hbm4b:s10+s3], $0x80, v9, vm1, $0xb8;
	[tilespmem:$0x1FB80] =	vst v63  }
0x247: {  	s16 =	simm.s32 $0xDB80  }
0x248: {  	[tilespmem:s16], [sflag:$0x2] =	stream.indirect_vreg.gather [hbm4b:s0+s3], $0x80, v8, vm1, $0xb8;
	[tilespmem:$0x1FB80] =	vst v63  }
0x249: {  	s20 =	simm.s32 $0xE380  }
0x24a: {  	[tilespmem:s20], [sflag:$0x2] =	stream.indirect_vreg.gather [hbm4b:s8+s3], $0x80, v8, vm1, $0xb8;
	[tilespmem:$0x1FB80] =	vst v63  }
0x24b: {  	s11 =	simm.s32 $0xEB80  }
0x24c: {  	[tilespmem:s11], [sflag:$0x2] =	stream.indirect_vreg.gather [hbm4b:s9+s3], $0x80, v8, vm1, $0xb8;
	[tilespmem:$0x1FB80] =	vst v63  }
0x24d: {  	s16 =	simm.s32 $0xF380  }
0x24e: {  	[tilespmem:s16], [sflag:$0x2] =	stream.indirect_vreg.gather [hbm4b:s10+s3], $0x80, v8, vm1, $0xb8;
	[tilespmem:$0x1FB80] =	vst v63  }
0x24f: {  	_ =	swait.ge [sflag:s24], $0x4000  }
0x250: {  	s4 =	sshll.u32 s4, $0xB;
	[sflag:s24] =	ssyncset.done $0x0  }
0x251: {  	s4 =	sadd.s32 s4, s13;
	[sflag:s24] =	ssyncadd.s32 $0xFFFFC000  }
0x252: {  	[hbm4b:s4+s3] =	stream.linear.scatter [tilespmem:s25], [sflag:$0xB], $0x4000, $0x38;
	[tilespmem:$0x1FB80] =	vst v63  }
0x253: {  	_ =	swait.ge [sflag:s26], $0x4000  }
0x254: {  	[sflag:s26] =	ssyncset.done $0x0  }
0x255: {  	p1 =	sgt.u32 s31, $0x3;
	[sflag:s26] =	ssyncadd.s32 $0xFFFFC000  }
0x256: {  	v8 =	vld @!p1 [tilespmem:s2+$0x30];
	_ =	sdelay $0x4  }
0x257: {  	v9 =	vshll.u32 @!p1 v8, $0x3  }
0x258: {  	v10 =	vlaneseq.u32 @!p1;
	v8 =	vand.u32 @!p1 $0x7, v8;
	v9 =	vand.u32 @!p1 $0xFFFFFFC0, v9  }
0x259: {  	v11 =	vshrl.u32 @!p1 v10, $0x3;
	v8 =	vor.u32 @!p1 v8, v9;
	v9 =	vand.u32 @!p1 $0x7, v10  }
0x25a: {  	v11 =	vmul.u32 @!p1 $0x8, v11;
	v9 =	vperm.xlane @!p1 v8, v9;
	_ =	sdelay $0x1  }
0x25b: {  	v9 =	vadd.s32 @!p1 v11, v9;
	_ =	sdelay $0x3  }
0x25c: {  	vm2 =	vmmov @!p1 $0xffff;
	s5 =	simm.s32 @!p1 $0xFB80;
	s4 =	simm.s32 @!p1 $0x0  }
0x25d: {  	v10 =	vor.u32 @!p1 $0x8, v10;
	[tilespmem:s5], [sflag:$0x3] =	stream.indirect_vreg.gather @!p1 [hbm4b:s0+s4], $0x80, v9, vm2, $0xb8;
	[tilespmem:$0x1FB80] =	vst v63  }
0x25e: {  	v8 =	vperm.xlane @!p1 v8, v10;
	s5 =	simm.s32 @!p1 $0x10380  }
0x25f: {  	[tilespmem:s5], [sflag:$0x3] =	stream.indirect_vreg.gather @!p1 [hbm4b:s8+s4], $0x80, v9, vm2, $0xb8;
	[tilespmem:$0x1FB80] =	vst v63  }
0x260: {  	v8 =	vadd.s32 @!p1 v11, v8;
	s5 =	simm.s32 @!p1 $0x10B80  }
0x261: {  	[tilespmem:s5], [sflag:$0x3] =	stream.indirect_vreg.gather @!p1 [hbm4b:s9+s4], $0x80, v9, vm2, $0xb8;
	[tilespmem:$0x1FB80] =	vst v63  }
0x262: {  	s5 =	simm.s32 @!p1 $0x11380  }
0x263: {  	[tilespmem:s5], [sflag:$0x3] =	stream.indirect_vreg.gather @!p1 [hbm4b:s10+s4], $0x80, v9, vm2, $0xb8;
	[tilespmem:$0x1FB80] =	vst v63  }
0x264: {  	s5 =	simm.s32 @!p1 $0x11B80  }
0x265: {  	[tilespmem:s5], [sflag:$0x3] =	stream.indirect_vreg.gather @!p1 [hbm4b:s0+s4], $0x80, v8, vm2, $0xb8;
	[tilespmem:$0x1FB80] =	vst v63  }
0x266: {  	s5 =	simm.s32 @!p1 $0x12380  }
0x267: {  	[tilespmem:s5], [sflag:$0x3] =	stream.indirect_vreg.gather @!p1 [hbm4b:s8+s4], $0x80, v8, vm2, $0xb8;
	[tilespmem:$0x1FB80] =	vst v63  }
0x268: {  	s5 =	simm.s32 @!p1 $0x12B80  }
0x269: {  	[tilespmem:s5], [sflag:$0x3] =	stream.indirect_vreg.gather @!p1 [hbm4b:s9+s4], $0x80, v8, vm2, $0xb8;
	[tilespmem:$0x1FB80] =	vst v63  }
0x26a: {  	s29 =	sadd.s32 $0x3000, s29;
	s5 =	simm.s32 @!p1 $0x13380  }
0x26b: {  	[tilespmem:s5], [sflag:$0x3] =	stream.indirect_vreg.gather @!p1 [hbm4b:s10+s4], $0x80, v8, vm2, $0xb8;
	[tilespmem:$0x1FB80] =	vst v63  }
0x26c: {  	p1 =	sne.s32 s29, $0x12000  }
.Ltmp24:
0x26d: {  	_ = 	snop;
	(pc) =	sbr.rel @p1 .LBB2_32-.Ltmp24, $4  }
.Ltmp25:
0x26e: {  	_ =	swait.ge [sflag:s28], $0x4000;
	(pc) =	sbr.rel @!p1 .LBB2_36-.Ltmp25, $4  }
0x26f: {  	s31 =	sadd.s32 $0x1, s31;
	s1 =	sadd.s32 $0x6, s1;
	[sflag:s28] =	ssyncset.done $0x0  }
0x270: {  	s20 =	sadd.s32 $0x2800, s18;
	s2 =	sadd.s32 $0x60, s2;
	[sflag:s28] =	ssyncadd.s32 $0xFFFFC000  }
0x271: {  	[hbm4b:s20+s3] =	stream.linear.scatter [tilespmem:s22], [sflag:$0xC], $0x4000, $0x38;
	[tilespmem:$0x1FB80] =	vst v63  }
0x272: {  	_ = 	snop  }
.LBB2_37:
0x273: {  	_ =	sfence.sel $0x180000  }
0x274: {  	[bflag:$0x0] =	sbarrier.arrive $0xFFFF  }
0x275: {  	_ =	strace $0x90000047  }
0x276: {  	s0 =	stileid.u32;
	[bflag:$0x2] =	sbarrier.arrive $0xFFFF  }
0x277: {  	p0 =	sne.s32 s0, $0x0;
	s0 =	rddreg [dreg:$0x4]  }
0x278: {  	s0 =	sadd.s32 @!p0 $0x100000, s0  }
0x279: {  	[sflag:s0] =	ssyncadd.tile.s32 @!p0 $0x1;
	_ =	shalt  }
.Lfunc_end2:
_tile_overlayer_lowered:
.L_overlay_start_2:
0x27a: {  	(tag) =	ssettag $0x2  }
0x27b: {  	s0 =	rddreg [dreg:$0x0];
	s2 =	stileid.u32  }
0x27c: {  	s1 =	rddreg [dreg:$0x1];
	p0 =	sne.s32 s2, $0x0  }
0x27d: {  	s3 =	rddreg [dreg:$0x2];
	[bflag:$0x3] =	sbarrier.arrive $0xFFFF;
	s2 =	simm.s32 @!p0 $0x1C0D  }
0x27e: {  	[timem:s3], [sflag:s2] =	dma.local @!p0 [hbm:s0], s1  }
0x27f: {  	s0 =	simm.s32 @!p0 $0xD  }
0x280: {  	_ =	swait.ge @!p0 [sflag:s0], s1  }
0x281: {  	s1 =	ssub.s32 @!p0 $0x0, s1;
	[sflag:s0] =	ssyncset.done @!p0 $0x0  }
0x282: {  	[sflag:s0] =	ssyncadd.s32 @!p0 s1  }
0x283: {  	[bflag:$0x3] =	sbarrier.arrive $0xFFFF  }
0x284: {  	_ =	shalt  }

</sc_bundles>
